<compile_context>
chip_gen: v7x
topology: tpu7x:2x2x1
jax: 0.10.2.dev20260603
libtpu: 0.0.44.dev20260713+nightly
codegen_flags: <defaults>
</compile_context>

<pallas_src>
import functools

import jax
import jax.numpy as jnp
from jax import lax
from jax.experimental import pallas as pl
from jax.experimental.pallas import tpu as pltpu
from jax.experimental.pallas import tpu_sc as plsc

B, M, N = 16, 4, 128
H, P = 256, 32
G = B * M
NLOOK = G * N
CHUNK = 128
H2 = H // 2
GPB = 16
GPM = GPB // M


def _sc_gather(tab_a, tab_f, idx_a, idx_f):
    info = plsc.get_sparse_core_info()
    nc, ns = info.num_cores, info.num_subcores
    nw = nc * ns
    bpw = NLOOK // nw
    nchunk = bpw // CHUNK

    mesh = plsc.VectorSubcoreMesh(core_axis_name="c", subcore_axis_name="s")

    @functools.partial(
        pl.kernel,
        out_type=jax.ShapeDtypeStruct((2, NLOOK, H2), jnp.int32),
        mesh=mesh,
        scratch_types=[
            pltpu.VMEM((2, nchunk, CHUNK), jnp.int32),
            pltpu.VMEM((2, bpw, H2), jnp.int32),
            pltpu.SemaphoreType.DMA,
            pltpu.SemaphoreType.DMA,
        ],
    )
    def gather_kernel(a_tab, f_tab, a_idx, f_idx, out, idx_v, rows_v,
                      sem_i, sem_g):
        wid = lax.axis_index("s") * nc + lax.axis_index("c")
        base = wid * bpw
        ic0 = pltpu.async_copy(a_idx.at[wid], idx_v.at[0], sem_i)
        ic1 = pltpu.async_copy(f_idx.at[wid], idx_v.at[1], sem_i)
        ic0.wait()
        ic1.wait()
        copies = []
        for t, tab in ((0, a_tab), (1, f_tab)):
            for j in range(nchunk):
                copies.append(pltpu.async_copy(
                    tab.at[idx_v.at[t, j]],
                    rows_v.at[t, pl.ds(j * CHUNK, CHUNK)], sem_g))
        for c in copies:
            c.wait()
        pltpu.sync_copy(rows_v, out.at[:, pl.ds(base, bpw)])

    return gather_kernel(tab_a, tab_f, idx_a, idx_f)


def _fused_body(adj_ref, xa_ref, xf_ref, wa_ref, wf_ref, bi_ref,
                w1_ref, b1_ref, w2_ref, b2_ref,
                ratios_ref, phys_ref, gh_ref, gp_ref, eh_ref, ep_ref,
                wh1h_ref, wh1p_ref, bh1_ref, wh2_ref, bh2_ref,
                y_ref, mixh_ref):
    f32 = jnp.float32
    bf16 = jnp.bfloat16
    g = pl.program_id(0)

    def unpack(ref):
        w = ref[...].reshape(GPB * N, H2)
        lo = jax.lax.bitcast_convert_type(w << 16, f32)
        hi = jax.lax.bitcast_convert_type(w & jnp.int32(-65536), f32)
        return jnp.concatenate([lo, hi], axis=1).astype(bf16)

    xa = unpack(xa_ref)
    xf = unpack(xf_ref)
    x = (jnp.dot(xa, wa_ref[...], preferred_element_type=f32)
         + jnp.dot(xf, wf_ref[...], preferred_element_type=f32)
         + bi_ref[...])
    x = jnp.maximum(x, 0.0)

    a3 = adj_ref[...].astype(f32)
    r = lax.broadcasted_iota(jnp.int32, (GPB, N, N), 1)
    c = lax.broadcasted_iota(jnp.int32, (GPB, N, N), 2)
    a3 = a3 + (r == c).astype(f32)
    deg = jnp.sum(a3, axis=2)
    dinv = (1.0 / jnp.sqrt(deg)).reshape(GPB * N, 1)
    a3b = a3.astype(bf16)

    def gcn_layer(x, w_ref, b_ref):
        t = dinv * jnp.dot(x.astype(bf16), w_ref[...],
                           preferred_element_type=f32)
        tb = t.astype(bf16)
        parts = [jnp.dot(a3b[i], tb[i * N:(i + 1) * N],
                         preferred_element_type=f32) for i in range(GPB)]
        s = jnp.concatenate(parts, axis=0)
        return jnp.maximum(dinv * s + b_ref[...], 0.0)

    x = gcn_layer(x, w1_ref, b1_ref)
    x = gcn_layer(x, w2_ref, b2_ref)
    mol = jnp.mean(x.reshape(GPB, N, H), axis=1)

    r_rows = ratios_ref[pl.ds(g * GPM, GPM), :]
    w_rows = r_rows / (jnp.sum(r_rows, axis=1, keepdims=True) + 1e-8)
    mix = jnp.sum(w_rows[:, :, None] * mol.reshape(GPM, M, H), axis=1)
    mixh_ref[pl.ds(g, 1)] = mix.reshape(1, GPM, H)

    @pl.when(g == B // GPM - 1)
    def head():
        ratios = ratios_ref[...]
        w = ratios / (jnp.sum(ratios, axis=1, keepdims=True) + 1e-8)
        phys = phys_ref[...]
        phys = jnp.where(jnp.isnan(phys), 0.0, phys)
        phys = jnp.clip(phys, -1000.0, 1000.0)
        mix_p = jnp.sum(w[:, :, None] * phys, axis=1)
        mix_h = mixh_ref[...].reshape(B, H)

        hp = float(H + P)
        mu = (jnp.sum(mix_h, axis=1, keepdims=True)
              + jnp.sum(mix_p, axis=1, keepdims=True)) / hp
        dh = mix_h - mu
        dp = mix_p - mu
        var = (jnp.sum(dh * dh, axis=1, keepdims=True)
               + jnp.sum(dp * dp, axis=1, keepdims=True)) / hp
        inv = 1.0 / jnp.sqrt(var + 1e-5)
        znh = dh * inv * gh_ref[...] + eh_ref[...]
        znp = dp * inv * gp_ref[...] + ep_ref[...]

        h = jnp.maximum(znh @ wh1h_ref[...] + znp @ wh1p_ref[...]
                        + bh1_ref[...], 0.0)
        y = h @ wh2_ref[...] + bh2_ref[...]
        big = jnp.finfo(f32).max
        y_ref[...] = jnp.where(jnp.isnan(y), 0.0, jnp.clip(y, -big, big))


def _fused_forward(adj, xa, xf, w_in_a, w_in_f, b_in, w1, b1, w2, b2,
                   ratios, phys, gh, gp, eh, ep, wh1h, wh1p, bh1, wh2, bh2):
    rep2 = pl.BlockSpec((H, H), lambda g: (0, 0))
    repb = pl.BlockSpec((1, H), lambda g: (0, 0))
    return pl.pallas_call(
        _fused_body,
        grid=(G // GPB,),
        in_specs=[
            pl.BlockSpec((GPB, N, N), lambda g: (g, 0, 0)),
            pl.BlockSpec((1, GPB, N, H2), lambda g: (0, g, 0, 0)),
            pl.BlockSpec((1, GPB, N, H2), lambda g: (1, g, 0, 0)),
            rep2, rep2, repb, rep2, repb, rep2, repb,
            pl.BlockSpec((B, M), lambda g: (0, 0)),
            pl.BlockSpec((B, M, P), lambda g: (0, 0, 0)),
            repb, pl.BlockSpec((1, P), lambda g: (0, 0)),
            repb, pl.BlockSpec((1, P), lambda g: (0, 0)),
            rep2, pl.BlockSpec((P, H), lambda g: (0, 0)),
            repb,
            pl.BlockSpec((H, 1), lambda g: (0, 0)),
            pl.BlockSpec((1, 1), lambda g: (0, 0)),
        ],
        out_specs=pl.BlockSpec((B, 1), lambda g: (0, 0)),
        out_shape=jax.ShapeDtypeStruct((B, 1), jnp.float32),
        scratch_shapes=[pltpu.VMEM((B // GPM, GPM, H), jnp.float32)],
    )(adj, xa, xf, w_in_a, w_in_f, b_in, w1, b1, w2, b2,
      ratios, phys, gh, gp, eh, ep, wh1h, wh1p, bh1, wh2, bh2)


def _pack_rows(t):
    tb = t.astype(jnp.bfloat16)
    lo = jax.lax.bitcast_convert_type(tb[:, :H2], jnp.uint16).astype(jnp.uint32)
    hi = jax.lax.bitcast_convert_type(tb[:, H2:], jnp.uint16).astype(jnp.uint32)
    return jax.lax.bitcast_convert_type((hi << 16) | lo, jnp.int32)


def kernel(af, fp, adj, phys, ratios, atom_emb, fp_emb, W_in, b_in,
           W1, b1, W2, b2, ln_g, ln_b, Wh1, bh1, Wh2, bh2):
    info = plsc.get_sparse_core_info()
    nw = info.num_cores * info.num_subcores
    ishape = (nw, NLOOK // nw // CHUNK, CHUNK)
    packed = _sc_gather(_pack_rows(atom_emb), _pack_rows(fp_emb),
                        af.astype(jnp.int32).reshape(ishape),
                        fp.astype(jnp.int32).reshape(ishape))

    bf16 = jnp.bfloat16
    packed4 = packed.reshape(2, G, N, H2)
    y = _fused_forward(
        adj.reshape(G, N, N).astype(jnp.int8), packed4, packed4,
        W_in[:H].astype(bf16), W_in[H:].astype(bf16),
        b_in.reshape(1, H),
        W1.astype(bf16), b1.reshape(1, H), W2.astype(bf16),
        b2.reshape(1, H),
        ratios, phys,
        ln_g[:H].reshape(1, H), ln_g[H:].reshape(1, P),
        ln_b[:H].reshape(1, H), ln_b[H:].reshape(1, P),
        Wh1[:H], Wh1[H:], bh1.reshape(1, H),
        Wh2, bh2.reshape(1, 1),
    )
    return y

# --- scband reference (transcript-rebuilt; emitter-appended) ---
"""Pipeline reference for scband-gcnmean-mix-49323404427794 (READ-ONLY COPY).

The authoritative reference and input builder live on the scoring server;
editing this copy changes nothing except your own understanding.
"""

import jax, jax.numpy as jnp
import numpy as np

B, M, N = 16, 4, 128
H, P = 256, 32
NUM_ATOM, NUM_FP = 100, 2048

def _xavier(k, shape):
    lim = float(np.sqrt(6.0 / (shape[0] + shape[1])))
    return jax.random.uniform(k, shape, jnp.float32, -lim, lim)

def setup_inputs(seed: int = 0) -> dict:
    key = jax.random.key(seed)
    ks = jax.random.split(key, 12)
    af = jax.random.randint(ks[0], (B, M, N), 0, NUM_ATOM).astype(jnp.int64)
    fp = jax.random.randint(ks[1], (B, M, N), 0, NUM_FP).astype(jnp.int64)
    adj = jax.random.randint(ks[2], (B, M, N, N), 0, 2).astype(jnp.int32)
    phys = jax.random.normal(ks[3], (B, M, P), dtype=jnp.float32)
    ratios = jax.random.uniform(ks[4], (B, M), dtype=jnp.float32)
    atom_emb = _xavier(ks[5], (NUM_ATOM, H))
    fp_emb = _xavier(ks[6], (NUM_FP, H))
    W_in = _xavier(ks[7], (2 * H, H)); b_in = jnp.zeros((H,), jnp.float32)
    W1 = _xavier(ks[8], (H, H)); b1 = jnp.zeros((H,), jnp.float32)
    W2 = _xavier(ks[9], (H, H)); b2 = jnp.zeros((H,), jnp.float32)
    ln_g = jnp.ones((H + P,), jnp.float32); ln_b = jnp.zeros((H + P,), jnp.float32)
    Wh1 = _xavier(ks[10], (H + P, H)); bh1 = jnp.zeros((H,), jnp.float32)
    Wh2 = _xavier(ks[11], (H, 1)); bh2 = jnp.zeros((1,), jnp.float32)
    return {"af": af, "fp": fp, "adj": adj, "phys": phys, "ratios": ratios,
            "atom_emb": atom_emb, "fp_emb": fp_emb, "W_in": W_in, "b_in": b_in,
            "W1": W1, "b1": b1, "W2": W2, "b2": b2,
            "ln_g": ln_g, "ln_b": ln_b, "Wh1": Wh1, "bh1": bh1, "Wh2": Wh2, "bh2": bh2}

def reference(af, fp, adj, phys, ratios, atom_emb, fp_emb, W_in, b_in,
              W1, b1, W2, b2, ln_g, ln_b, Wh1, bh1, Wh2, bh2):
    # embedding lookups (gather) + input projection
    x = jnp.concatenate([jnp.take(atom_emb, af, axis=0), jnp.take(fp_emb, fp, axis=0)], axis=-1)  # [B,M,N,2H]
    x = jax.nn.relu(x @ W_in + b_in)  # [B,M,N,H]
    # GCNConv with unconditional self loops, symmetric deg normalization (dense form of the edge_index path)
    A = adj.astype(jnp.float32) + jnp.eye(N, dtype=jnp.float32)  # [B,M,N,N]
    deg = A.sum(axis=-1)
    dinv = 1.0 / jnp.sqrt(deg)
    An = dinv[..., :, None] * A * dinv[..., None, :]
    x = jax.nn.relu(An @ (x @ W1) + b1)
    x = jax.nn.relu(An @ (x @ W2) + b2)
    mol = x.mean(axis=2)  # mean node pooling -> [B,M,H]
    # normalized mixture weights
    w = ratios / (ratios.sum(axis=-1, keepdims=True) + 1e-8)  # [B,M]
    phys_c = jnp.nan_to_num(phys, nan=0.0, posinf=1000.0, neginf=-1000.0)
    mix_h = (w[..., None] * mol).sum(axis=1)     # [B,H]
    mix_p = (w[..., None] * phys_c).sum(axis=1)  # [B,P]
    z = jnp.concatenate([mix_h, mix_p], axis=-1)  # [B,H+P]
    # head: LayerNorm -> Linear -> ReLU -> Linear (dropout is identity in eval)
    mu = z.mean(axis=-1, keepdims=True)
    var = ((z - mu) ** 2).mean(axis=-1, keepdims=True)
    zn = (z - mu) / jnp.sqrt(var + 1e-5) * ln_g + ln_b
    h = jax.nn.relu(zn @ Wh1 + bh1)
    y = h @ Wh2 + bh2  # [B,1]
    return jnp.nan_to_num(y)

if __name__ == "__main__":
    import jax
    _d = setup_inputs()
    print(jax.jit(kernel)(*tuple(_d.values())))

</pallas_src>

<mosaic_0001>
#map = affine_map<(d0, d1) -> (0, 0)>
#map1 = affine_map<(d0, d1) -> (0, 0, 0)>
module attributes {stable_mosaic.version = 14 : i64} {
  func.func @gather_kernel(%arg0: i32, %arg1: i32, %arg2: memref<100x128xi32, #tpu.memory_space<hbm>>, %arg3: memref<2048x128xi32, #tpu.memory_space<hbm>>, %arg4: memref<32x2x128xi32, #tpu.memory_space<hbm>>, %arg5: memref<32x2x128xi32, #tpu.memory_space<hbm>>, %arg6: memref<2x8192x128xi32, #tpu.memory_space<hbm>>, %arg7: memref<2x2x128xi32, #tpu.memory_space<vmem>>, %arg8: memref<2x256x128xi32, #tpu.memory_space<vmem>>, %arg9: memref<!tpu.dma_semaphore, #tpu.memory_space<semaphore_mem>>, %arg10: memref<!tpu.dma_semaphore, #tpu.memory_space<semaphore_mem>>) attributes {dimension_semantics = [#tpu.dimension_semantics<core_parallel>, #tpu.dimension_semantics<subcore_parallel>], iteration_bounds = array<i64: 2, 16>, scalar_prefetch = 0 : i64, scratch_operands = 4 : i64, tpu.core_type = #tpu.core_type<sc_vector_subcore>, window_params = [{transform_indices = #map}, {transform_indices = #map}, {transform_indices = #map1}, {transform_indices = #map1}, {transform_indices = #map1}]} {
    %mul3A = arith.constant 2 : i32
    %mul3A_0 = arith.muli %arg1, %mul3A : i32
    %add3A = arith.addi %mul3A_0, %arg0 : i32
    %mul3A_1 = arith.constant 256 : i32
    %mul3A_2 = arith.muli %add3A, %mul3A_1 : i32
    %dma_start3A = arith.constant 0 : i32
    %dma_start3A_3 = arith.constant 0 : i32
    %dma_start3A_4 = arith.constant 0 : i32
    %dma_start3A_5 = tpu.memref_slice %arg7[%dma_start3A, %dma_start3A_3, %dma_start3A_4] : memref<2x2x128xi32, #tpu.memory_space<vmem>> -> memref<1x2x128xi32, #tpu.memory_space<vmem>>
    %dma_start3A_6 = tpu.memref_squeeze %dma_start3A_5 : memref<1x2x128xi32, #tpu.memory_space<vmem>> -> memref<2x128xi32, #tpu.memory_space<vmem>>
    %dma_start3A_7 = arith.constant 0 : i32
    %dma_start3A_8 = arith.constant 0 : i32
    %dma_start3A_9 = tpu.memref_slice %arg4[%add3A, %dma_start3A_7, %dma_start3A_8] : memref<32x2x128xi32, #tpu.memory_space<hbm>> -> memref<1x2x128xi32, #tpu.memory_space<hbm>>
    %dma_start3A_10 = tpu.memref_squeeze %dma_start3A_9 : memref<1x2x128xi32, #tpu.memory_space<hbm>> -> memref<2x128xi32, #tpu.memory_space<hbm>>
    %dma_start3A_11 = arith.constant 0 : i32
    %dma_start3A_12 = arith.constant 0 : i32
    %dma_start3A_13 = tpu.memref_slice %arg7[%dma_start3A, %dma_start3A_11, %dma_start3A_12] : memref<2x2x128xi32, #tpu.memory_space<vmem>> -> memref<1x2x128xi32, #tpu.memory_space<vmem>>
    %dma_start3A_14 = tpu.memref_squeeze %dma_start3A_13 : memref<1x2x128xi32, #tpu.memory_space<vmem>> -> memref<2x128xi32, #tpu.memory_space<vmem>>
    %dma_start3A_15 = arith.constant 0 : i32
    %dma_start3A_16 = arith.constant 0 : i32
    %dma_start3A_17 = tpu.memref_slice %arg4[%add3A, %dma_start3A_15, %dma_start3A_16] : memref<32x2x128xi32, #tpu.memory_space<hbm>> -> memref<1x2x128xi32, #tpu.memory_space<hbm>>
    %dma_start3A_18 = tpu.memref_squeeze %dma_start3A_17 : memref<1x2x128xi32, #tpu.memory_space<hbm>> -> memref<2x128xi32, #tpu.memory_space<hbm>>
    tpu.enqueue_dma source(%dma_start3A_18 : memref<2x128xi32, #tpu.memory_space<hbm>>) target(%dma_start3A_14 : memref<2x128xi32, #tpu.memory_space<vmem>>) target_semaphore(%arg9 : memref<!tpu.dma_semaphore, #tpu.memory_space<semaphore_mem>>)
    %dma_start3A_19 = arith.constant 1 : i32
    %dma_start3A_20 = arith.constant 0 : i32
    %dma_start3A_21 = arith.constant 0 : i32
    %dma_start3A_22 = tpu.memref_slice %arg7[%dma_start3A_19, %dma_start3A_20, %dma_start3A_21] : memref<2x2x128xi32, #tpu.memory_space<vmem>> -> memref<1x2x128xi32, #tpu.memory_space<vmem>>
    %dma_start3A_23 = tpu.memref_squeeze %dma_start3A_22 : memref<1x2x128xi32, #tpu.memory_space<vmem>> -> memref<2x128xi32, #tpu.memory_space<vmem>>
    %dma_start3A_24 = arith.constant 0 : i32
    %dma_start3A_25 = arith.constant 0 : i32
    %dma_start3A_26 = tpu.memref_slice %arg5[%add3A, %dma_start3A_24, %dma_start3A_25] : memref<32x2x128xi32, #tpu.memory_space<hbm>> -> memref<1x2x128xi32, #tpu.memory_space<hbm>>
    %dma_start3A_27 = tpu.memref_squeeze %dma_start3A_26 : memref<1x2x128xi32, #tpu.memory_space<hbm>> -> memref<2x128xi32, #tpu.memory_space<hbm>>
    %dma_start3A_28 = arith.constant 0 : i32
    %dma_start3A_29 = arith.constant 0 : i32
    %dma_start3A_30 = tpu.memref_slice %arg7[%dma_start3A_19, %dma_start3A_28, %dma_start3A_29] : memref<2x2x128xi32, #tpu.memory_space<vmem>> -> memref<1x2x128xi32, #tpu.memory_space<vmem>>
    %dma_start3A_31 = tpu.memref_squeeze %dma_start3A_30 : memref<1x2x128xi32, #tpu.memory_space<vmem>> -> memref<2x128xi32, #tpu.memory_space<vmem>>
    %dma_start3A_32 = arith.constant 0 : i32
    %dma_start3A_33 = arith.constant 0 : i32
    %dma_start3A_34 = tpu.memref_slice %arg5[%add3A, %dma_start3A_32, %dma_start3A_33] : memref<32x2x128xi32, #tpu.memory_space<hbm>> -> memref<1x2x128xi32, #tpu.memory_space<hbm>>
    %dma_start3A_35 = tpu.memref_squeeze %dma_start3A_34 : memref<1x2x128xi32, #tpu.memory_space<hbm>> -> memref<2x128xi32, #tpu.memory_space<hbm>>
    tpu.enqueue_dma source(%dma_start3A_35 : memref<2x128xi32, #tpu.memory_space<hbm>>) target(%dma_start3A_31 : memref<2x128xi32, #tpu.memory_space<vmem>>) target_semaphore(%arg9 : memref<!tpu.dma_semaphore, #tpu.memory_space<semaphore_mem>>)
    %dma_wait3A = arith.constant 0 : i32
    %dma_wait3A_36 = arith.constant 0 : i32
    %dma_wait3A_37 = arith.constant 0 : i32
    %dma_wait3A_38 = tpu.memref_slice %arg7[%dma_wait3A, %dma_wait3A_36, %dma_wait3A_37] : memref<2x2x128xi32, #tpu.memory_space<vmem>> -> memref<1x2x128xi32, #tpu.memory_space<vmem>>
    %dma_wait3A_39 = tpu.memref_squeeze %dma_wait3A_38 : memref<1x2x128xi32, #tpu.memory_space<vmem>> -> memref<2x128xi32, #tpu.memory_space<vmem>>
    %dma_wait3A_40 = arith.constant 0 : i32
    %dma_wait3A_41 = arith.constant 0 : i32
    %dma_wait3A_42 = tpu.memref_slice %arg4[%add3A, %dma_wait3A_40, %dma_wait3A_41] : memref<32x2x128xi32, #tpu.memory_space<hbm>> -> memref<1x2x128xi32, #tpu.memory_space<hbm>>
    %dma_wait3A_43 = tpu.memref_squeeze %dma_wait3A_42 : memref<1x2x128xi32, #tpu.memory_space<hbm>> -> memref<2x128xi32, #tpu.memory_space<hbm>>
    %dma_wait3A_44 = arith.constant 0 : i32
    %dma_wait3A_45 = arith.constant 0 : i32
    %dma_wait3A_46 = tpu.memref_slice %arg7[%dma_wait3A, %dma_wait3A_44, %dma_wait3A_45] : memref<2x2x128xi32, #tpu.memory_space<vmem>> -> memref<1x2x128xi32, #tpu.memory_space<vmem>>
    %dma_wait3A_47 = tpu.memref_squeeze %dma_wait3A_46 : memref<1x2x128xi32, #tpu.memory_space<vmem>> -> memref<2x128xi32, #tpu.memory_space<vmem>>
    %dma_wait3A_48 = arith.constant 0 : i32
    %dma_wait3A_49 = arith.constant 0 : i32
    %dma_wait3A_50 = tpu.memref_slice %arg4[%add3A, %dma_wait3A_48, %dma_wait3A_49] : memref<32x2x128xi32, #tpu.memory_space<hbm>> -> memref<1x2x128xi32, #tpu.memory_space<hbm>>
    %dma_wait3A_51 = tpu.memref_squeeze %dma_wait3A_50 : memref<1x2x128xi32, #tpu.memory_space<hbm>> -> memref<2x128xi32, #tpu.memory_space<hbm>>
    tpu.wait_dma2 semaphore(%arg9 : memref<!tpu.dma_semaphore, #tpu.memory_space<semaphore_mem>>) src(%dma_wait3A_51 : memref<2x128xi32, #tpu.memory_space<hbm>>) dst(%dma_wait3A_47 : memref<2x128xi32, #tpu.memory_space<vmem>>)
    %dma_wait3A_52 = arith.constant 1 : i32
    %dma_wait3A_53 = arith.constant 0 : i32
    %dma_wait3A_54 = arith.constant 0 : i32
    %dma_wait3A_55 = tpu.memref_slice %arg7[%dma_wait3A_52, %dma_wait3A_53, %dma_wait3A_54] : memref<2x2x128xi32, #tpu.memory_space<vmem>> -> memref<1x2x128xi32, #tpu.memory_space<vmem>>
    %dma_wait3A_56 = tpu.memref_squeeze %dma_wait3A_55 : memref<1x2x128xi32, #tpu.memory_space<vmem>> -> memref<2x128xi32, #tpu.memory_space<vmem>>
    %dma_wait3A_57 = arith.constant 0 : i32
    %dma_wait3A_58 = arith.constant 0 : i32
    %dma_wait3A_59 = tpu.memref_slice %arg5[%add3A, %dma_wait3A_57, %dma_wait3A_58] : memref<32x2x128xi32, #tpu.memory_space<hbm>> -> memref<1x2x128xi32, #tpu.memory_space<hbm>>
    %dma_wait3A_60 = tpu.memref_squeeze %dma_wait3A_59 : memref<1x2x128xi32, #tpu.memory_space<hbm>> -> memref<2x128xi32, #tpu.memory_space<hbm>>
    %dma_wait3A_61 = arith.constant 0 : i32
    %dma_wait3A_62 = arith.constant 0 : i32
    %dma_wait3A_63 = tpu.memref_slice %arg7[%dma_wait3A_52, %dma_wait3A_61, %dma_wait3A_62] : memref<2x2x128xi32, #tpu.memory_space<vmem>> -> memref<1x2x128xi32, #tpu.memory_space<vmem>>
    %dma_wait3A_64 = tpu.memref_squeeze %dma_wait3A_63 : memref<1x2x128xi32, #tpu.memory_space<vmem>> -> memref<2x128xi32, #tpu.memory_space<vmem>>
    %dma_wait3A_65 = arith.constant 0 : i32
    %dma_wait3A_66 = arith.constant 0 : i32
    %dma_wait3A_67 = tpu.memref_slice %arg5[%add3A, %dma_wait3A_65, %dma_wait3A_66] : memref<32x2x128xi32, #tpu.memory_space<hbm>> -> memref<1x2x128xi32, #tpu.memory_space<hbm>>
    %dma_wait3A_68 = tpu.memref_squeeze %dma_wait3A_67 : memref<1x2x128xi32, #tpu.memory_space<hbm>> -> memref<2x128xi32, #tpu.memory_space<hbm>>
    tpu.wait_dma2 semaphore(%arg9 : memref<!tpu.dma_semaphore, #tpu.memory_space<semaphore_mem>>) src(%dma_wait3A_68 : memref<2x128xi32, #tpu.memory_space<hbm>>) dst(%dma_wait3A_64 : memref<2x128xi32, #tpu.memory_space<vmem>>)
    %dma_start3A_69 = arith.constant 0 : i32
    %dma_start3A_70 = arith.constant 0 : i32
    %dma_start3A_71 = arith.constant 0 : i32
    %dma_start3A_72 = arith.constant 0 : i32
    %dma_start3A_73 = arith.constant 0 : i32
    %dma_start3A_74 = tpu.memref_slice %arg8[%dma_start3A_71, %dma_start3A_72, %dma_start3A_73] : memref<2x256x128xi32, #tpu.memory_space<vmem>> -> memref<1x128x128xi32, #tpu.memory_space<vmem>>
    %dma_start3A_75 = tpu.memref_squeeze %dma_start3A_74 : memref<1x128x128xi32, #tpu.memory_space<vmem>> -> memref<128x128xi32, #tpu.memory_space<vmem>>
    %dma_start3A_76 = arith.constant 0 : i32
    %dma_start3A_77 = tpu.memref_slice %arg7[%dma_start3A_69, %dma_start3A_70, %dma_start3A_76] : memref<2x2x128xi32, #tpu.memory_space<vmem>> -> memref<1x1x128xi32, #tpu.memory_space<vmem>>
    %dma_start3A_78 = tpu.memref_squeeze %dma_start3A_77 : memref<1x1x128xi32, #tpu.memory_space<vmem>> -> memref<128xi32, #tpu.memory_space<vmem>>
    %dma_start3A_79 = arith.constant 0 : i32
    %dma_start3A_80 = arith.constant 0 : i32
    %dma_start3A_81 = tpu.memref_slice %arg2[%dma_start3A_79, %dma_start3A_80] : memref<100x128xi32, #tpu.memory_space<hbm>> -> memref<100x128xi32, #tpu.memory_space<hbm>>
    tpu.enqueue_indirect_dma source(%dma_start3A_81 : memref<100x128xi32, #tpu.memory_space<hbm>>) target(%dma_start3A_75 : memref<128x128xi32, #tpu.memory_space<vmem>>) offsets(%dma_start3A_78 : memref<128xi32, #tpu.memory_space<vmem>>) semaphore(%arg10 : memref<!tpu.dma_semaphore, #tpu.memory_space<semaphore_mem>>)
    %dma_start3A_82 = arith.constant 0 : i32
    %dma_start3A_83 = arith.constant 1 : i32
    %dma_start3A_84 = arith.constant 0 : i32
    %dma_start3A_85 = arith.constant 128 : i32
    %dma_start3A_86 = arith.constant 0 : i32
    %dma_start3A_87 = tpu.memref_slice %arg8[%dma_start3A_84, %dma_start3A_85, %dma_start3A_86] : memref<2x256x128xi32, #tpu.memory_space<vmem>> -> memref<1x128x128xi32, #tpu.memory_space<vmem>>
    %dma_start3A_88 = tpu.memref_squeeze %dma_start3A_87 : memref<1x128x128xi32, #tpu.memory_space<vmem>> -> memref<128x128xi32, #tpu.memory_space<vmem>>
    %dma_start3A_89 = arith.constant 0 : i32
    %dma_start3A_90 = tpu.memref_slice %arg7[%dma_start3A_82, %dma_start3A_83, %dma_start3A_89] : memref<2x2x128xi32, #tpu.memory_space<vmem>> -> memref<1x1x128xi32, #tpu.memory_space<vmem>>
    %dma_start3A_91 = tpu.memref_squeeze %dma_start3A_90 : memref<1x1x128xi32, #tpu.memory_space<vmem>> -> memref<128xi32, #tpu.memory_space<vmem>>
    %dma_start3A_92 = arith.constant 0 : i32
    %dma_start3A_93 = arith.constant 0 : i32
    %dma_start3A_94 = tpu.memref_slice %arg2[%dma_start3A_92, %dma_start3A_93] : memref<100x128xi32, #tpu.memory_space<hbm>> -> memref<100x128xi32, #tpu.memory_space<hbm>>
    tpu.enqueue_indirect_dma source(%dma_start3A_94 : memref<100x128xi32, #tpu.memory_space<hbm>>) target(%dma_start3A_88 : memref<128x128xi32, #tpu.memory_space<vmem>>) offsets(%dma_start3A_91 : memref<128xi32, #tpu.memory_space<vmem>>) semaphore(%arg10 : memref<!tpu.dma_semaphore, #tpu.memory_space<semaphore_mem>>)
    %dma_start3A_95 = arith.constant 1 : i32
    %dma_start3A_96 = arith.constant 0 : i32
    %dma_start3A_97 = arith.constant 1 : i32
    %dma_start3A_98 = arith.constant 0 : i32
    %dma_start3A_99 = arith.constant 0 : i32
    %dma_start3A_100 = tpu.memref_slice %arg8[%dma_start3A_97, %dma_start3A_98, %dma_start3A_99] : memref<2x256x128xi32, #tpu.memory_space<vmem>> -> memref<1x128x128xi32, #tpu.memory_space<vmem>>
    %dma_start3A_101 = tpu.memref_squeeze %dma_start3A_100 : memref<1x128x128xi32, #tpu.memory_space<vmem>> -> memref<128x128xi32, #tpu.memory_space<vmem>>
    %dma_start3A_102 = arith.constant 0 : i32
    %dma_start3A_103 = tpu.memref_slice %arg7[%dma_start3A_95, %dma_start3A_96, %dma_start3A_102] : memref<2x2x128xi32, #tpu.memory_space<vmem>> -> memref<1x1x128xi32, #tpu.memory_space<vmem>>
    %dma_start3A_104 = tpu.memref_squeeze %dma_start3A_103 : memref<1x1x128xi32, #tpu.memory_space<vmem>> -> memref<128xi32, #tpu.memory_space<vmem>>
    %dma_start3A_105 = arith.constant 0 : i32
    %dma_start3A_106 = arith.constant 0 : i32
    %dma_start3A_107 = tpu.memref_slice %arg3[%dma_start3A_105, %dma_start3A_106] : memref<2048x128xi32, #tpu.memory_space<hbm>> -> memref<2048x128xi32, #tpu.memory_space<hbm>>
    tpu.enqueue_indirect_dma source(%dma_start3A_107 : memref<2048x128xi32, #tpu.memory_space<hbm>>) target(%dma_start3A_101 : memref<128x128xi32, #tpu.memory_space<vmem>>) offsets(%dma_start3A_104 : memref<128xi32, #tpu.memory_space<vmem>>) semaphore(%arg10 : memref<!tpu.dma_semaphore, #tpu.memory_space<semaphore_mem>>)
    %dma_start3A_108 = arith.constant 1 : i32
    %dma_start3A_109 = arith.constant 1 : i32
    %dma_start3A_110 = arith.constant 1 : i32
    %dma_start3A_111 = arith.constant 128 : i32
    %dma_start3A_112 = arith.constant 0 : i32
    %dma_start3A_113 = tpu.memref_slice %arg8[%dma_start3A_110, %dma_start3A_111, %dma_start3A_112] : memref<2x256x128xi32, #tpu.memory_space<vmem>> -> memref<1x128x128xi32, #tpu.memory_space<vmem>>
    %dma_start3A_114 = tpu.memref_squeeze %dma_start3A_113 : memref<1x128x128xi32, #tpu.memory_space<vmem>> -> memref<128x128xi32, #tpu.memory_space<vmem>>
    %dma_start3A_115 = arith.constant 0 : i32
    %dma_start3A_116 = tpu.memref_slice %arg7[%dma_start3A_108, %dma_start3A_109, %dma_start3A_115] : memref<2x2x128xi32, #tpu.memory_space<vmem>> -> memref<1x1x128xi32, #tpu.memory_space<vmem>>
    %dma_start3A_117 = tpu.memref_squeeze %dma_start3A_116 : memref<1x1x128xi32, #tpu.memory_space<vmem>> -> memref<128xi32, #tpu.memory_space<vmem>>
    %dma_start3A_118 = arith.constant 0 : i32
    %dma_start3A_119 = arith.constant 0 : i32
    %dma_start3A_120 = tpu.memref_slice %arg3[%dma_start3A_118, %dma_start3A_119] : memref<2048x128xi32, #tpu.memory_space<hbm>> -> memref<2048x128xi32, #tpu.memory_space<hbm>>
    tpu.enqueue_indirect_dma source(%dma_start3A_120 : memref<2048x128xi32, #tpu.memory_space<hbm>>) target(%dma_start3A_114 : memref<128x128xi32, #tpu.memory_space<vmem>>) offsets(%dma_start3A_117 : memref<128xi32, #tpu.memory_space<vmem>>) semaphore(%arg10 : memref<!tpu.dma_semaphore, #tpu.memory_space<semaphore_mem>>)
    %dma_wait3A_121 = arith.constant 0 : i32
    %dma_wait3A_122 = arith.constant 0 : i32
    %dma_wait3A_123 = arith.constant 0 : i32
    %dma_wait3A_124 = arith.constant 0 : i32
    %dma_wait3A_125 = arith.constant 0 : i32
    %dma_wait3A_126 = tpu.memref_slice %arg8[%dma_wait3A_123, %dma_wait3A_124, %dma_wait3A_125] : memref<2x256x128xi32, #tpu.memory_space<vmem>> -> memref<1x128x128xi32, #tpu.memory_space<vmem>>
    %dma_wait3A_127 = tpu.memref_squeeze %dma_wait3A_126 : memref<1x128x128xi32, #tpu.memory_space<vmem>> -> memref<128x128xi32, #tpu.memory_space<vmem>>
    %dma_wait3A_128 = arith.constant 0 : i32
    %dma_wait3A_129 = tpu.memref_slice %arg7[%dma_wait3A_121, %dma_wait3A_122, %dma_wait3A_128] : memref<2x2x128xi32, #tpu.memory_space<vmem>> -> memref<1x1x128xi32, #tpu.memory_space<vmem>>
    %dma_wait3A_130 = tpu.memref_squeeze %dma_wait3A_129 : memref<1x1x128xi32, #tpu.memory_space<vmem>> -> memref<128xi32, #tpu.memory_space<vmem>>
    %dma_wait3A_131 = arith.constant 0 : i32
    %dma_wait3A_132 = arith.constant 0 : i32
    %dma_wait3A_133 = tpu.memref_slice %arg2[%dma_wait3A_131, %dma_wait3A_132] : memref<100x128xi32, #tpu.memory_space<hbm>> -> memref<100x128xi32, #tpu.memory_space<hbm>>
    tpu.wait_indirect_dma semaphore(%arg10 : memref<!tpu.dma_semaphore, #tpu.memory_space<semaphore_mem>>) src(%dma_wait3A_133 : memref<100x128xi32, #tpu.memory_space<hbm>>) dst(%dma_wait3A_127 : memref<128x128xi32, #tpu.memory_space<vmem>>)
    %dma_wait3A_134 = arith.constant 0 : i32
    %dma_wait3A_135 = arith.constant 1 : i32
    %dma_wait3A_136 = arith.constant 0 : i32
    %dma_wait3A_137 = arith.constant 128 : i32
    %dma_wait3A_138 = arith.constant 0 : i32
    %dma_wait3A_139 = tpu.memref_slice %arg8[%dma_wait3A_136, %dma_wait3A_137, %dma_wait3A_138] : memref<2x256x128xi32, #tpu.memory_space<vmem>> -> memref<1x128x128xi32, #tpu.memory_space<vmem>>
    %dma_wait3A_140 = tpu.memref_squeeze %dma_wait3A_139 : memref<1x128x128xi32, #tpu.memory_space<vmem>> -> memref<128x128xi32, #tpu.memory_space<vmem>>
    %dma_wait3A_141 = arith.constant 0 : i32
    %dma_wait3A_142 = tpu.memref_slice %arg7[%dma_wait3A_134, %dma_wait3A_135, %dma_wait3A_141] : memref<2x2x128xi32, #tpu.memory_space<vmem>> -> memref<1x1x128xi32, #tpu.memory_space<vmem>>
    %dma_wait3A_143 = tpu.memref_squeeze %dma_wait3A_142 : memref<1x1x128xi32, #tpu.memory_space<vmem>> -> memref<128xi32, #tpu.memory_space<vmem>>
    %dma_wait3A_144 = arith.constant 0 : i32
    %dma_wait3A_145 = arith.constant 0 : i32
    %dma_wait3A_146 = tpu.memref_slice %arg2[%dma_wait3A_144, %dma_wait3A_145] : memref<100x128xi32, #tpu.memory_space<hbm>> -> memref<100x128xi32, #tpu.memory_space<hbm>>
    tpu.wait_indirect_dma semaphore(%arg10 : memref<!tpu.dma_semaphore, #tpu.memory_space<semaphore_mem>>) src(%dma_wait3A_146 : memref<100x128xi32, #tpu.memory_space<hbm>>) dst(%dma_wait3A_140 : memref<128x128xi32, #tpu.memory_space<vmem>>)
    %dma_wait3A_147 = arith.constant 1 : i32
    %dma_wait3A_148 = arith.constant 0 : i32
    %dma_wait3A_149 = arith.constant 1 : i32
    %dma_wait3A_150 = arith.constant 0 : i32
    %dma_wait3A_151 = arith.constant 0 : i32
    %dma_wait3A_152 = tpu.memref_slice %arg8[%dma_wait3A_149, %dma_wait3A_150, %dma_wait3A_151] : memref<2x256x128xi32, #tpu.memory_space<vmem>> -> memref<1x128x128xi32, #tpu.memory_space<vmem>>
    %dma_wait3A_153 = tpu.memref_squeeze %dma_wait3A_152 : memref<1x128x128xi32, #tpu.memory_space<vmem>> -> memref<128x128xi32, #tpu.memory_space<vmem>>
    %dma_wait3A_154 = arith.constant 0 : i32
    %dma_wait3A_155 = tpu.memref_slice %arg7[%dma_wait3A_147, %dma_wait3A_148, %dma_wait3A_154] : memref<2x2x128xi32, #tpu.memory_space<vmem>> -> memref<1x1x128xi32, #tpu.memory_space<vmem>>
    %dma_wait3A_156 = tpu.memref_squeeze %dma_wait3A_155 : memref<1x1x128xi32, #tpu.memory_space<vmem>> -> memref<128xi32, #tpu.memory_space<vmem>>
    %dma_wait3A_157 = arith.constant 0 : i32
    %dma_wait3A_158 = arith.constant 0 : i32
    %dma_wait3A_159 = tpu.memref_slice %arg3[%dma_wait3A_157, %dma_wait3A_158] : memref<2048x128xi32, #tpu.memory_space<hbm>> -> memref<2048x128xi32, #tpu.memory_space<hbm>>
    tpu.wait_indirect_dma semaphore(%arg10 : memref<!tpu.dma_semaphore, #tpu.memory_space<semaphore_mem>>) src(%dma_wait3A_159 : memref<2048x128xi32, #tpu.memory_space<hbm>>) dst(%dma_wait3A_153 : memref<128x128xi32, #tpu.memory_space<vmem>>)
    %dma_wait3A_160 = arith.constant 1 : i32
    %dma_wait3A_161 = arith.constant 1 : i32
    %dma_wait3A_162 = arith.constant 1 : i32
    %dma_wait3A_163 = arith.constant 128 : i32
    %dma_wait3A_164 = arith.constant 0 : i32
    %dma_wait3A_165 = tpu.memref_slice %arg8[%dma_wait3A_162, %dma_wait3A_163, %dma_wait3A_164] : memref<2x256x128xi32, #tpu.memory_space<vmem>> -> memref<1x128x128xi32, #tpu.memory_space<vmem>>
    %dma_wait3A_166 = tpu.memref_squeeze %dma_wait3A_165 : memref<1x128x128xi32, #tpu.memory_space<vmem>> -> memref<128x128xi32, #tpu.memory_space<vmem>>
    %dma_wait3A_167 = arith.constant 0 : i32
    %dma_wait3A_168 = tpu.memref_slice %arg7[%dma_wait3A_160, %dma_wait3A_161, %dma_wait3A_167] : memref<2x2x128xi32, #tpu.memory_space<vmem>> -> memref<1x1x128xi32, #tpu.memory_space<vmem>>
    %dma_wait3A_169 = tpu.memref_squeeze %dma_wait3A_168 : memref<1x1x128xi32, #tpu.memory_space<vmem>> -> memref<128xi32, #tpu.memory_space<vmem>>
    %dma_wait3A_170 = arith.constant 0 : i32
    %dma_wait3A_171 = arith.constant 0 : i32
    %dma_wait3A_172 = tpu.memref_slice %arg3[%dma_wait3A_170, %dma_wait3A_171] : memref<2048x128xi32, #tpu.memory_space<hbm>> -> memref<2048x128xi32, #tpu.memory_space<hbm>>
    tpu.wait_indirect_dma semaphore(%arg10 : memref<!tpu.dma_semaphore, #tpu.memory_space<semaphore_mem>>) src(%dma_wait3A_172 : memref<2048x128xi32, #tpu.memory_space<hbm>>) dst(%dma_wait3A_166 : memref<128x128xi32, #tpu.memory_space<vmem>>)
    "tpu.region"() ({
      %run_scoped3A = tpu.sem_alloc : memref<!tpu.dma_semaphore, #tpu.memory_space<semaphore_mem>>
      %dma_start3A_173 = arith.constant 0 : i32
      %dma_start3A_174 = arith.constant 0 : i32
      %dma_start3A_175 = tpu.memref_slice %arg6[%dma_start3A_173, %mul3A_2, %dma_start3A_174] : memref<2x8192x128xi32, #tpu.memory_space<hbm>> -> memref<2x256x128xi32, #tpu.memory_space<hbm>>
      %dma_start3A_176 = arith.constant 0 : i32
      %dma_start3A_177 = arith.constant 0 : i32
      %dma_start3A_178 = tpu.memref_slice %arg6[%dma_start3A_176, %mul3A_2, %dma_start3A_177] : memref<2x8192x128xi32, #tpu.memory_space<hbm>> -> memref<2x256x128xi32, #tpu.memory_space<hbm>>
      tpu.enqueue_dma source(%arg8 : memref<2x256x128xi32, #tpu.memory_space<vmem>>) target(%dma_start3A_178 : memref<2x256x128xi32, #tpu.memory_space<hbm>>) target_semaphore(%run_scoped3A : memref<!tpu.dma_semaphore, #tpu.memory_space<semaphore_mem>>)
      %dma_wait3A_179 = arith.constant 0 : i32
      %dma_wait3A_180 = arith.constant 0 : i32
      %dma_wait3A_181 = tpu.memref_slice %arg6[%dma_wait3A_179, %mul3A_2, %dma_wait3A_180] : memref<2x8192x128xi32, #tpu.memory_space<hbm>> -> memref<2x256x128xi32, #tpu.memory_space<hbm>>
      %dma_wait3A_182 = arith.constant 0 : i32
      %dma_wait3A_183 = arith.constant 0 : i32
      %dma_wait3A_184 = tpu.memref_slice %arg6[%dma_wait3A_182, %mul3A_2, %dma_wait3A_183] : memref<2x8192x128xi32, #tpu.memory_space<hbm>> -> memref<2x256x128xi32, #tpu.memory_space<hbm>>
      tpu.wait_dma2 semaphore(%run_scoped3A : memref<!tpu.dma_semaphore, #tpu.memory_space<semaphore_mem>>) src(%arg8 : memref<2x256x128xi32, #tpu.memory_space<vmem>>) dst(%dma_wait3A_184 : memref<2x256x128xi32, #tpu.memory_space<hbm>>)
      tpu.yield
    }) : () -> ()
    return
  }
}

module attributes {stable_mosaic.version = 14 : i64} {
  func.func @_fused_body(%arg0: i32, %arg1: memref<16x128x128xi8, #tpu.memory_space<vmem>>, %arg2: memref<1x16x128x128xi32, #tpu.memory_space<vmem>>, %arg3: memref<1x16x128x128xi32, #tpu.memory_space<vmem>>, %arg4: memref<256x256xbf16, #tpu.memory_space<vmem>>, %arg5: memref<256x256xbf16, #tpu.memory_space<vmem>>, %arg6: memref<1x256xf32, #tpu.memory_space<vmem>>, %arg7: memref<256x256xbf16, #tpu.memory_space<vmem>>, %arg8: memref<1x256xf32, #tpu.memory_space<vmem>>, %arg9: memref<256x256xbf16, #tpu.memory_space<vmem>>, %arg10: memref<1x256xf32, #tpu.memory_space<vmem>>, %arg11: memref<16x4xf32, #tpu.memory_space<vmem>>, %arg12: memref<16x4x32xf32, #tpu.memory_space<vmem>>, %arg13: memref<1x256xf32, #tpu.memory_space<vmem>>, %arg14: memref<1x32xf32, #tpu.memory_space<vmem>>, %arg15: memref<1x256xf32, #tpu.memory_space<vmem>>, %arg16: memref<1x32xf32, #tpu.memory_space<vmem>>, %arg17: memref<256x256xf32, #tpu.memory_space<vmem>>, %arg18: memref<32x256xf32, #tpu.memory_space<vmem>>, %arg19: memref<1x256xf32, #tpu.memory_space<vmem>>, %arg20: memref<256x1xf32, #tpu.memory_space<vmem>>, %arg21: memref<1x1xf32, #tpu.memory_space<vmem>>, %arg22: memref<16x1xf32, #tpu.memory_space<vmem>>, %arg23: memref<4x4x256xf32, #tpu.memory_space<vmem>>) attributes {dimension_semantics = [#tpu.dimension_semantics<arbitrary>], iteration_bounds = array<i64: 4>, scalar_prefetch = 0 : i64, scratch_operands = 1 : i64, tpu.core_type = #tpu.core_type<tc>, window_params = [{transform_indices = @transform_0, window_bounds = array<i64: 16, 128, 128>}, {transform_indices = @transform_1, window_bounds = array<i64: 1, 16, 128, 128>}, {transform_indices = @transform_2, window_bounds = array<i64: 1, 16, 128, 128>}, {pipeline_mode = #tpu.pipeline_mode<synchronous>, transform_indices = @transform_3, window_bounds = array<i64: 256, 256>}, {pipeline_mode = #tpu.pipeline_mode<synchronous>, transform_indices = @transform_4, window_bounds = array<i64: 256, 256>}, {pipeline_mode = #tpu.pipeline_mode<synchronous>, transform_indices = @transform_5, window_bounds = array<i64: 1, 256>}, {pipeline_mode = #tpu.pipeline_mode<synchronous>, transform_indices = @transform_6, window_bounds = array<i64: 256, 256>}, {pipeline_mode = #tpu.pipeline_mode<synchronous>, transform_indices = @transform_7, window_bounds = array<i64: 1, 256>}, {pipeline_mode = #tpu.pipeline_mode<synchronous>, transform_indices = @transform_8, window_bounds = array<i64: 256, 256>}, {pipeline_mode = #tpu.pipeline_mode<synchronous>, transform_indices = @transform_9, window_bounds = array<i64: 1, 256>}, {pipeline_mode = #tpu.pipeline_mode<synchronous>, transform_indices = @transform_10, window_bounds = array<i64: 16, 4>}, {pipeline_mode = #tpu.pipeline_mode<synchronous>, transform_indices = @transform_11, window_bounds = array<i64: 16, 4, 32>}, {pipeline_mode = #tpu.pipeline_mode<synchronous>, transform_indices = @transform_12, window_bounds = array<i64: 1, 256>}, {pipeline_mode = #tpu.pipeline_mode<synchronous>, transform_indices = @transform_13, window_bounds = array<i64: 1, 32>}, {pipeline_mode = #tpu.pipeline_mode<synchronous>, transform_indices = @transform_14, window_bounds = array<i64: 1, 256>}, {pipeline_mode = #tpu.pipeline_mode<synchronous>, transform_indices = @transform_15, window_bounds = array<i64: 1, 32>}, {pipeline_mode = #tpu.pipeline_mode<synchronous>, transform_indices = @transform_16, window_bounds = array<i64: 256, 256>}, {pipeline_mode = #tpu.pipeline_mode<synchronous>, transform_indices = @transform_17, window_bounds = array<i64: 32, 256>}, {pipeline_mode = #tpu.pipeline_mode<synchronous>, transform_indices = @transform_18, window_bounds = array<i64: 1, 256>}, {pipeline_mode = #tpu.pipeline_mode<synchronous>, transform_indices = @transform_19, window_bounds = array<i64: 256, 1>}, {pipeline_mode = #tpu.pipeline_mode<synchronous>, transform_indices = @transform_20, window_bounds = array<i64: 1, 1>}, {pipeline_mode = #tpu.pipeline_mode<synchronous>, transform_indices = @transform_21, window_bounds = array<i64: 16, 1>}]} {
    %get3A = arith.constant 0 : index
    %get3A_0 = arith.constant 0 : index
    %get3A_1 = arith.constant 0 : index
    %get3A_2 = arith.constant 0 : index
    %get3A_3 = vector.load %arg2[%get3A, %get3A_0, %get3A_1, %get3A_2] : memref<1x16x128x128xi32, #tpu.memory_space<vmem>>, vector<1x16x128x128xi32>
    %reshape3A = vector.shape_cast %get3A_3 : vector<1x16x128x128xi32> to vector<2048x128xi32>
    %shift_left3A = arith.constant 16 : i32
    %shift_left3A_4 = vector.broadcast %shift_left3A : i32 to vector<2048x128xi32>
    %shift_left3A_5 = arith.shli %reshape3A, %shift_left3A_4 : vector<2048x128xi32>
    %bitcast_convert_type3A = tpu.bitcast %shift_left3A_5 : vector<2048x128xi32> -> vector<2048x128xf32>
    %and3A = arith.constant -65536 : i32
    %and3A_6 = vector.broadcast %and3A : i32 to vector<2048x128xi32>
    %and3A_7 = arith.andi %reshape3A, %and3A_6 : vector<2048x128xi32>
    %bitcast_convert_type3A_8 = tpu.bitcast %and3A_7 : vector<2048x128xi32> -> vector<2048x128xf32>
    %concatenate3A = tpu.concatenate %bitcast_convert_type3A, %bitcast_convert_type3A_8 in 1 : vector<2048x128xf32>, vector<2048x128xf32> -> vector<2048x256xf32>
    %convert_element_type3A = arith.truncf %concatenate3A : vector<2048x256xf32> to vector<2048x256xbf16>
    %get3A_9 = arith.constant 0 : index
    %get3A_10 = arith.constant 0 : index
    %get3A_11 = arith.constant 0 : index
    %get3A_12 = arith.constant 0 : index
    %get3A_13 = vector.load %arg3[%get3A_9, %get3A_10, %get3A_11, %get3A_12] : memref<1x16x128x128xi32, #tpu.memory_space<vmem>>, vector<1x16x128x128xi32>
    %reshape3A_14 = vector.shape_cast %get3A_13 : vector<1x16x128x128xi32> to vector<2048x128xi32>
    %shift_left3A_15 = arith.constant 16 : i32
    %shift_left3A_16 = vector.broadcast %shift_left3A_15 : i32 to vector<2048x128xi32>
    %shift_left3A_17 = arith.shli %reshape3A_14, %shift_left3A_16 : vector<2048x128xi32>
    %bitcast_convert_type3A_18 = tpu.bitcast %shift_left3A_17 : vector<2048x128xi32> -> vector<2048x128xf32>
    %and3A_19 = arith.constant -65536 : i32
    %and3A_20 = vector.broadcast %and3A_19 : i32 to vector<2048x128xi32>
    %and3A_21 = arith.andi %reshape3A_14, %and3A_20 : vector<2048x128xi32>
    %bitcast_convert_type3A_22 = tpu.bitcast %and3A_21 : vector<2048x128xi32> -> vector<2048x128xf32>
    %concatenate3A_23 = tpu.concatenate %bitcast_convert_type3A_18, %bitcast_convert_type3A_22 in 1 : vector<2048x128xf32>, vector<2048x128xf32> -> vector<2048x256xf32>
    %convert_element_type3A_24 = arith.truncf %concatenate3A_23 : vector<2048x256xf32> to vector<2048x256xbf16>
    %get3A_25 = arith.constant 0 : index
    %get3A_26 = arith.constant 0 : index
    %get3A_27 = vector.load %arg4[%get3A_25, %get3A_26] : memref<256x256xbf16, #tpu.memory_space<vmem>>, vector<256x256xbf16>
    %dot_general3A = arith.constant dense<0.000000e+00> : vector<2048x256xf32>
    %dot_general3A_28 = tpu.matmul %convert_element_type3A, %get3A_27, %dot_general3A {dimension_numbers = #tpu.dot_dimension_numbers<[1], [0], [0], [1], [0, 0, 1, 1], [], []>, transpose_lhs_hint = false} : vector<2048x256xbf16>, vector<256x256xbf16>, vector<2048x256xf32> -> vector<2048x256xf32>
    %get3A_29 = arith.constant 0 : index
    %get3A_30 = arith.constant 0 : index
    %get3A_31 = vector.load %arg5[%get3A_29, %get3A_30] : memref<256x256xbf16, #tpu.memory_space<vmem>>, vector<256x256xbf16>
    %dot_general3A_32 = arith.constant dense<0.000000e+00> : vector<2048x256xf32>
    %dot_general3A_33 = tpu.matmul %convert_element_type3A_24, %get3A_31, %dot_general3A_32 {dimension_numbers = #tpu.dot_dimension_numbers<[1], [0], [0], [1], [0, 0, 1, 1], [], []>, transpose_lhs_hint = false} : vector<2048x256xbf16>, vector<256x256xbf16>, vector<2048x256xf32> -> vector<2048x256xf32>
    %add3A = arith.addf %dot_general3A_28, %dot_general3A_33 : vector<2048x256xf32>
    %get3A_34 = arith.constant 0 : index
    %get3A_35 = arith.constant 0 : index
    %get3A_36 = vector.load %arg6[%get3A_34, %get3A_35] : memref<1x256xf32, #tpu.memory_space<vmem>>, vector<1x256xf32>
    %add3A_37 = vector.broadcast %get3A_36 : vector<1x256xf32> to vector<2048x256xf32>
    %add3A_38 = arith.addf %add3A, %add3A_37 : vector<2048x256xf32>
    %max3A = arith.constant 0.000000e+00 : f32
    %max3A_39 = vector.broadcast %max3A : f32 to vector<2048x256xf32>
    %max3A_40 = arith.maximumf %add3A_38, %max3A_39 : vector<2048x256xf32>
    %get3A_41 = arith.constant 0 : index
    %get3A_42 = arith.constant 0 : index
    %get3A_43 = arith.constant 0 : index
    %get3A_44 = vector.load %arg1[%get3A_41, %get3A_42, %get3A_43] : memref<16x128x128xi8, #tpu.memory_space<vmem>>, vector<16x128x128xi8>
    %convert_element_type3A_45 = arith.sitofp %get3A_44 : vector<16x128x128xi8> to vector<16x128x128xf32>
    %iota3A = tpu.iota {dimensions = array<i32: 1>} : vector<16x128x128xi32>
    %iota3A_46 = tpu.iota {dimensions = array<i32: 2>} : vector<16x128x128xi32>
    %eq3A = arith.cmpi eq, %iota3A, %iota3A_46 : vector<16x128x128xi32>
    %convert_element_type3A_47 = arith.extui %eq3A : vector<16x128x128xi1> to vector<16x128x128xi32>
    %convert_element_type3A_48 = arith.sitofp %convert_element_type3A_47 : vector<16x128x128xi32> to vector<16x128x128xf32>
    %add3A_49 = arith.addf %convert_element_type3A_45, %convert_element_type3A_48 : vector<16x128x128xf32>
    %reduce_sum3A = arith.constant dense<0.000000e+00> : vector<16x128xf32>
    %reduce_sum3A_50 = vector.multi_reduction <add>, %add3A_49, %reduce_sum3A [2] : vector<16x128x128xf32> to vector<16x128xf32>
    %sqrt3A = math.sqrt %reduce_sum3A_50 : vector<16x128xf32>
    %div3A = arith.constant 1.000000e+00 : f32
    %div3A_51 = vector.broadcast %div3A : f32 to vector<16x128xf32>
    %div3A_52 = arith.divf %div3A_51, %sqrt3A : vector<16x128xf32>
    %reshape3A_53 = vector.shape_cast %div3A_52 : vector<16x128xf32> to vector<2048x1xf32>
    %convert_element_type3A_54 = arith.truncf %add3A_49 : vector<16x128x128xf32> to vector<16x128x128xbf16>
    %convert_element_type3A_55 = arith.truncf %max3A_40 : vector<2048x256xf32> to vector<2048x256xbf16>
    %get3A_56 = arith.constant 0 : index
    %get3A_57 = arith.constant 0 : index
    %get3A_58 = vector.load %arg7[%get3A_56, %get3A_57] : memref<256x256xbf16, #tpu.memory_space<vmem>>, vector<256x256xbf16>
    %dot_general3A_59 = arith.constant dense<0.000000e+00> : vector<2048x256xf32>
    %dot_general3A_60 = tpu.matmul %convert_element_type3A_55, %get3A_58, %dot_general3A_59 {dimension_numbers = #tpu.dot_dimension_numbers<[1], [0], [0], [1], [0, 0, 1, 1], [], []>, transpose_lhs_hint = false} : vector<2048x256xbf16>, vector<256x256xbf16>, vector<2048x256xf32> -> vector<2048x256xf32>
    %mul3A = vector.broadcast %reshape3A_53 : vector<2048x1xf32> to vector<2048x256xf32>
    %mul3A_61 = arith.mulf %mul3A, %dot_general3A_60 : vector<2048x256xf32>
    %convert_element_type3A_62 = arith.truncf %mul3A_61 : vector<2048x256xf32> to vector<2048x256xbf16>
    %slice3A = vector.extract_strided_slice %convert_element_type3A_54 {offsets = [0, 0, 0], sizes = [1, 128, 128], strides = [1, 1, 1]} : vector<16x128x128xbf16> to vector<1x128x128xbf16>
    %squeeze3A = vector.shape_cast %slice3A : vector<1x128x128xbf16> to vector<128x128xbf16>
    %slice3A_63 = vector.extract_strided_slice %convert_element_type3A_62 {offsets = [0, 0], sizes = [128, 256], strides = [1, 1]} : vector<2048x256xbf16> to vector<128x256xbf16>
    %dot_general3A_64 = arith.constant dense<0.000000e+00> : vector<128x256xf32>
    %dot_general3A_65 = tpu.matmul %squeeze3A, %slice3A_63, %dot_general3A_64 {dimension_numbers = #tpu.dot_dimension_numbers<[1], [0], [0], [1], [0, 0, 1, 1], [], []>, transpose_lhs_hint = false} : vector<128x128xbf16>, vector<128x256xbf16>, vector<128x256xf32> -> vector<128x256xf32>
    %slice3A_66 = vector.extract_strided_slice %convert_element_type3A_54 {offsets = [1, 0, 0], sizes = [1, 128, 128], strides = [1, 1, 1]} : vector<16x128x128xbf16> to vector<1x128x128xbf16>
    %squeeze3A_67 = vector.shape_cast %slice3A_66 : vector<1x128x128xbf16> to vector<128x128xbf16>
    %slice3A_68 = vector.extract_strided_slice %convert_element_type3A_62 {offsets = [128, 0], sizes = [128, 256], strides = [1, 1]} : vector<2048x256xbf16> to vector<128x256xbf16>
    %dot_general3A_69 = arith.constant dense<0.000000e+00> : vector<128x256xf32>
    %dot_general3A_70 = tpu.matmul %squeeze3A_67, %slice3A_68, %dot_general3A_69 {dimension_numbers = #tpu.dot_dimension_numbers<[1], [0], [0], [1], [0, 0, 1, 1], [], []>, transpose_lhs_hint = false} : vector<128x128xbf16>, vector<128x256xbf16>, vector<128x256xf32> -> vector<128x256xf32>
    %slice3A_71 = vector.extract_strided_slice %convert_element_type3A_54 {offsets = [2, 0, 0], sizes = [1, 128, 128], strides = [1, 1, 1]} : vector<16x128x128xbf16> to vector<1x128x128xbf16>
    %squeeze3A_72 = vector.shape_cast %slice3A_71 : vector<1x128x128xbf16> to vector<128x128xbf16>
    %slice3A_73 = vector.extract_strided_slice %convert_element_type3A_62 {offsets = [256, 0], sizes = [128, 256], strides = [1, 1]} : vector<2048x256xbf16> to vector<128x256xbf16>
    %dot_general3A_74 = arith.constant dense<0.000000e+00> : vector<128x256xf32>
    %dot_general3A_75 = tpu.matmul %squeeze3A_72, %slice3A_73, %dot_general3A_74 {dimension_numbers = #tpu.dot_dimension_numbers<[1], [0], [0], [1], [0, 0, 1, 1], [], []>, transpose_lhs_hint = false} : vector<128x128xbf16>, vector<128x256xbf16>, vector<128x256xf32> -> vector<128x256xf32>
    %slice3A_76 = vector.extract_strided_slice %convert_element_type3A_54 {offsets = [3, 0, 0], sizes = [1, 128, 128], strides = [1, 1, 1]} : vector<16x128x128xbf16> to vector<1x128x128xbf16>
    %squeeze3A_77 = vector.shape_cast %slice3A_76 : vector<1x128x128xbf16> to vector<128x128xbf16>
    %slice3A_78 = vector.extract_strided_slice %convert_element_type3A_62 {offsets = [384, 0], sizes = [128, 256], strides = [1, 1]} : vector<2048x256xbf16> to vector<128x256xbf16>
    %dot_general3A_79 = arith.constant dense<0.000000e+00> : vector<128x256xf32>
    %dot_general3A_80 = tpu.matmul %squeeze3A_77, %slice3A_78, %dot_general3A_79 {dimension_numbers = #tpu.dot_dimension_numbers<[1], [0], [0], [1], [0, 0, 1, 1], [], []>, transpose_lhs_hint = false} : vector<128x128xbf16>, vector<128x256xbf16>, vector<128x256xf32> -> vector<128x256xf32>
    %slice3A_81 = vector.extract_strided_slice %convert_element_type3A_54 {offsets = [4, 0, 0], sizes = [1, 128, 128], strides = [1, 1, 1]} : vector<16x128x128xbf16> to vector<1x128x128xbf16>
    %squeeze3A_82 = vector.shape_cast %slice3A_81 : vector<1x128x128xbf16> to vector<128x128xbf16>
    %slice3A_83 = vector.extract_strided_slice %convert_element_type3A_62 {offsets = [512, 0], sizes = [128, 256], strides = [1, 1]} : vector<2048x256xbf16> to vector<128x256xbf16>
    %dot_general3A_84 = arith.constant dense<0.000000e+00> : vector<128x256xf32>
    %dot_general3A_85 = tpu.matmul %squeeze3A_82, %slice3A_83, %dot_general3A_84 {dimension_numbers = #tpu.dot_dimension_numbers<[1], [0], [0], [1], [0, 0, 1, 1], [], []>, transpose_lhs_hint = false} : vector<128x128xbf16>, vector<128x256xbf16>, vector<128x256xf32> -> vector<128x256xf32>
    %slice3A_86 = vector.extract_strided_slice %convert_element_type3A_54 {offsets = [5, 0, 0], sizes = [1, 128, 128], strides = [1, 1, 1]} : vector<16x128x128xbf16> to vector<1x128x128xbf16>
    %squeeze3A_87 = vector.shape_cast %slice3A_86 : vector<1x128x128xbf16> to vector<128x128xbf16>
    %slice3A_88 = vector.extract_strided_slice %convert_element_type3A_62 {offsets = [640, 0], sizes = [128, 256], strides = [1, 1]} : vector<2048x256xbf16> to vector<128x256xbf16>
    %dot_general3A_89 = arith.constant dense<0.000000e+00> : vector<128x256xf32>
    %dot_general3A_90 = tpu.matmul %squeeze3A_87, %slice3A_88, %dot_general3A_89 {dimension_numbers = #tpu.dot_dimension_numbers<[1], [0], [0], [1], [0, 0, 1, 1], [], []>, transpose_lhs_hint = false} : vector<128x128xbf16>, vector<128x256xbf16>, vector<128x256xf32> -> vector<128x256xf32>
    %slice3A_91 = vector.extract_strided_slice %convert_element_type3A_54 {offsets = [6, 0, 0], sizes = [1, 128, 128], strides = [1, 1, 1]} : vector<16x128x128xbf16> to vector<1x128x128xbf16>
    %squeeze3A_92 = vector.shape_cast %slice3A_91 : vector<1x128x128xbf16> to vector<128x128xbf16>
    %slice3A_93 = vector.extract_strided_slice %convert_element_type3A_62 {offsets = [768, 0], sizes = [128, 256], strides = [1, 1]} : vector<2048x256xbf16> to vector<128x256xbf16>
    %dot_general3A_94 = arith.constant dense<0.000000e+00> : vector<128x256xf32>
    %dot_general3A_95 = tpu.matmul %squeeze3A_92, %slice3A_93, %dot_general3A_94 {dimension_numbers = #tpu.dot_dimension_numbers<[1], [0], [0], [1], [0, 0, 1, 1], [], []>, transpose_lhs_hint = false} : vector<128x128xbf16>, vector<128x256xbf16>, vector<128x256xf32> -> vector<128x256xf32>
    %slice3A_96 = vector.extract_strided_slice %convert_element_type3A_54 {offsets = [7, 0, 0], sizes = [1, 128, 128], strides = [1, 1, 1]} : vector<16x128x128xbf16> to vector<1x128x128xbf16>
    %squeeze3A_97 = vector.shape_cast %slice3A_96 : vector<1x128x128xbf16> to vector<128x128xbf16>
    %slice3A_98 = vector.extract_strided_slice %convert_element_type3A_62 {offsets = [896, 0], sizes = [128, 256], strides = [1, 1]} : vector<2048x256xbf16> to vector<128x256xbf16>
    %dot_general3A_99 = arith.constant dense<0.000000e+00> : vector<128x256xf32>
    %dot_general3A_100 = tpu.matmul %squeeze3A_97, %slice3A_98, %dot_general3A_99 {dimension_numbers = #tpu.dot_dimension_numbers<[1], [0], [0], [1], [0, 0, 1, 1], [], []>, transpose_lhs_hint = false} : vector<128x128xbf16>, vector<128x256xbf16>, vector<128x256xf32> -> vector<128x256xf32>
    %slice3A_101 = vector.extract_strided_slice %convert_element_type3A_54 {offsets = [8, 0, 0], sizes = [1, 128, 128], strides = [1, 1, 1]} : vector<16x128x128xbf16> to vector<1x128x128xbf16>
    %squeeze3A_102 = vector.shape_cast %slice3A_101 : vector<1x128x128xbf16> to vector<128x128xbf16>
    %slice3A_103 = vector.extract_strided_slice %convert_element_type3A_62 {offsets = [1024, 0], sizes = [128, 256], strides = [1, 1]} : vector<2048x256xbf16> to vector<128x256xbf16>
    %dot_general3A_104 = arith.constant dense<0.000000e+00> : vector<128x256xf32>
    %dot_general3A_105 = tpu.matmul %squeeze3A_102, %slice3A_103, %dot_general3A_104 {dimension_numbers = #tpu.dot_dimension_numbers<[1], [0], [0], [1], [0, 0, 1, 1], [], []>, transpose_lhs_hint = false} : vector<128x128xbf16>, vector<128x256xbf16>, vector<128x256xf32> -> vector<128x256xf32>
    %slice3A_106 = vector.extract_strided_slice %convert_element_type3A_54 {offsets = [9, 0, 0], sizes = [1, 128, 128], strides = [1, 1, 1]} : vector<16x128x128xbf16> to vector<1x128x128xbf16>
    %squeeze3A_107 = vector.shape_cast %slice3A_106 : vector<1x128x128xbf16> to vector<128x128xbf16>
    %slice3A_108 = vector.extract_strided_slice %convert_element_type3A_62 {offsets = [1152, 0], sizes = [128, 256], strides = [1, 1]} : vector<2048x256xbf16> to vector<128x256xbf16>
    %dot_general3A_109 = arith.constant dense<0.000000e+00> : vector<128x256xf32>
    %dot_general3A_110 = tpu.matmul %squeeze3A_107, %slice3A_108, %dot_general3A_109 {dimension_numbers = #tpu.dot_dimension_numbers<[1], [0], [0], [1], [0, 0, 1, 1], [], []>, transpose_lhs_hint = false} : vector<128x128xbf16>, vector<128x256xbf16>, vector<128x256xf32> -> vector<128x256xf32>
    %slice3A_111 = vector.extract_strided_slice %convert_element_type3A_54 {offsets = [10, 0, 0], sizes = [1, 128, 128], strides = [1, 1, 1]} : vector<16x128x128xbf16> to vector<1x128x128xbf16>
    %squeeze3A_112 = vector.shape_cast %slice3A_111 : vector<1x128x128xbf16> to vector<128x128xbf16>
    %slice3A_113 = vector.extract_strided_slice %convert_element_type3A_62 {offsets = [1280, 0], sizes = [128, 256], strides = [1, 1]} : vector<2048x256xbf16> to vector<128x256xbf16>
    %dot_general3A_114 = arith.constant dense<0.000000e+00> : vector<128x256xf32>
    %dot_general3A_115 = tpu.matmul %squeeze3A_112, %slice3A_113, %dot_general3A_114 {dimension_numbers = #tpu.dot_dimension_numbers<[1], [0], [0], [1], [0, 0, 1, 1], [], []>, transpose_lhs_hint = false} : vector<128x128xbf16>, vector<128x256xbf16>, vector<128x256xf32> -> vector<128x256xf32>
    %slice3A_116 = vector.extract_strided_slice %convert_element_type3A_54 {offsets = [11, 0, 0], sizes = [1, 128, 128], strides = [1, 1, 1]} : vector<16x128x128xbf16> to vector<1x128x128xbf16>
    %squeeze3A_117 = vector.shape_cast %slice3A_116 : vector<1x128x128xbf16> to vector<128x128xbf16>
    %slice3A_118 = vector.extract_strided_slice %convert_element_type3A_62 {offsets = [1408, 0], sizes = [128, 256], strides = [1, 1]} : vector<2048x256xbf16> to vector<128x256xbf16>
    %dot_general3A_119 = arith.constant dense<0.000000e+00> : vector<128x256xf32>
    %dot_general3A_120 = tpu.matmul %squeeze3A_117, %slice3A_118, %dot_general3A_119 {dimension_numbers = #tpu.dot_dimension_numbers<[1], [0], [0], [1], [0, 0, 1, 1], [], []>, transpose_lhs_hint = false} : vector<128x128xbf16>, vector<128x256xbf16>, vector<128x256xf32> -> vector<128x256xf32>
    %slice3A_121 = vector.extract_strided_slice %convert_element_type3A_54 {offsets = [12, 0, 0], sizes = [1, 128, 128], strides = [1, 1, 1]} : vector<16x128x128xbf16> to vector<1x128x128xbf16>
    %squeeze3A_122 = vector.shape_cast %slice3A_121 : vector<1x128x128xbf16> to vector<128x128xbf16>
    %slice3A_123 = vector.extract_strided_slice %convert_element_type3A_62 {offsets = [1536, 0], sizes = [128, 256], strides = [1, 1]} : vector<2048x256xbf16> to vector<128x256xbf16>
    %dot_general3A_124 = arith.constant dense<0.000000e+00> : vector<128x256xf32>
    %dot_general3A_125 = tpu.matmul %squeeze3A_122, %slice3A_123, %dot_general3A_124 {dimension_numbers = #tpu.dot_dimension_numbers<[1], [0], [0], [1], [0, 0, 1, 1], [], []>, transpose_lhs_hint = false} : vector<128x128xbf16>, vector<128x256xbf16>, vector<128x256xf32> -> vector<128x256xf32>
    %slice3A_126 = vector.extract_strided_slice %convert_element_type3A_54 {offsets = [13, 0, 0], sizes = [1, 128, 128], strides = [1, 1, 1]} : vector<16x128x128xbf16> to vector<1x128x128xbf16>
    %squeeze3A_127 = vector.shape_cast %slice3A_126 : vector<1x128x128xbf16> to vector<128x128xbf16>
    %slice3A_128 = vector.extract_strided_slice %convert_element_type3A_62 {offsets = [1664, 0], sizes = [128, 256], strides = [1, 1]} : vector<2048x256xbf16> to vector<128x256xbf16>
    %dot_general3A_129 = arith.constant dense<0.000000e+00> : vector<128x256xf32>
    %dot_general3A_130 = tpu.matmul %squeeze3A_127, %slice3A_128, %dot_general3A_129 {dimension_numbers = #tpu.dot_dimension_numbers<[1], [0], [0], [1], [0, 0, 1, 1], [], []>, transpose_lhs_hint = false} : vector<128x128xbf16>, vector<128x256xbf16>, vector<128x256xf32> -> vector<128x256xf32>
    %slice3A_131 = vector.extract_strided_slice %convert_element_type3A_54 {offsets = [14, 0, 0], sizes = [1, 128, 128], strides = [1, 1, 1]} : vector<16x128x128xbf16> to vector<1x128x128xbf16>
    %squeeze3A_132 = vector.shape_cast %slice3A_131 : vector<1x128x128xbf16> to vector<128x128xbf16>
    %slice3A_133 = vector.extract_strided_slice %convert_element_type3A_62 {offsets = [1792, 0], sizes = [128, 256], strides = [1, 1]} : vector<2048x256xbf16> to vector<128x256xbf16>
    %dot_general3A_134 = arith.constant dense<0.000000e+00> : vector<128x256xf32>
    %dot_general3A_135 = tpu.matmul %squeeze3A_132, %slice3A_133, %dot_general3A_134 {dimension_numbers = #tpu.dot_dimension_numbers<[1], [0], [0], [1], [0, 0, 1, 1], [], []>, transpose_lhs_hint = false} : vector<128x128xbf16>, vector<128x256xbf16>, vector<128x256xf32> -> vector<128x256xf32>
    %slice3A_136 = vector.extract_strided_slice %convert_element_type3A_54 {offsets = [15, 0, 0], sizes = [1, 128, 128], strides = [1, 1, 1]} : vector<16x128x128xbf16> to vector<1x128x128xbf16>
    %squeeze3A_137 = vector.shape_cast %slice3A_136 : vector<1x128x128xbf16> to vector<128x128xbf16>
    %slice3A_138 = vector.extract_strided_slice %convert_element_type3A_62 {offsets = [1920, 0], sizes = [128, 256], strides = [1, 1]} : vector<2048x256xbf16> to vector<128x256xbf16>
    %dot_general3A_139 = arith.constant dense<0.000000e+00> : vector<128x256xf32>
    %dot_general3A_140 = tpu.matmul %squeeze3A_137, %slice3A_138, %dot_general3A_139 {dimension_numbers = #tpu.dot_dimension_numbers<[1], [0], [0], [1], [0, 0, 1, 1], [], []>, transpose_lhs_hint = false} : vector<128x128xbf16>, vector<128x256xbf16>, vector<128x256xf32> -> vector<128x256xf32>
    %concatenate3A_141 = tpu.concatenate %dot_general3A_65, %dot_general3A_70, %dot_general3A_75, %dot_general3A_80, %dot_general3A_85, %dot_general3A_90, %dot_general3A_95, %dot_general3A_100, %dot_general3A_105, %dot_general3A_110, %dot_general3A_115, %dot_general3A_120, %dot_general3A_125, %dot_general3A_130, %dot_general3A_135, %dot_general3A_140 in 0 : vector<128x256xf32>, vector<128x256xf32>, vector<128x256xf32>, vector<128x256xf32>, vector<128x256xf32>, vector<128x256xf32>, vector<128x256xf32>, vector<128x256xf32>, vector<128x256xf32>, vector<128x256xf32>, vector<128x256xf32>, vector<128x256xf32>, vector<128x256xf32>, vector<128x256xf32>, vector<128x256xf32>, vector<128x256xf32> -> vector<2048x256xf32>
    %mul3A_142 = vector.broadcast %reshape3A_53 : vector<2048x1xf32> to vector<2048x256xf32>
    %mul3A_143 = arith.mulf %mul3A_142, %concatenate3A_141 : vector<2048x256xf32>
    %get3A_144 = arith.constant 0 : index
    %get3A_145 = arith.constant 0 : index
    %get3A_146 = vector.load %arg8[%get3A_144, %get3A_145] : memref<1x256xf32, #tpu.memory_space<vmem>>, vector<1x256xf32>
    %add3A_147 = vector.broadcast %get3A_146 : vector<1x256xf32> to vector<2048x256xf32>
    %add3A_148 = arith.addf %mul3A_143, %add3A_147 : vector<2048x256xf32>
    %max3A_149 = arith.constant 0.000000e+00 : f32
    %max3A_150 = vector.broadcast %max3A_149 : f32 to vector<2048x256xf32>
    %max3A_151 = arith.maximumf %add3A_148, %max3A_150 : vector<2048x256xf32>
    %convert_element_type3A_152 = arith.truncf %max3A_151 : vector<2048x256xf32> to vector<2048x256xbf16>
    %get3A_153 = arith.constant 0 : index
    %get3A_154 = arith.constant 0 : index
    %get3A_155 = vector.load %arg9[%get3A_153, %get3A_154] : memref<256x256xbf16, #tpu.memory_space<vmem>>, vector<256x256xbf16>
    %dot_general3A_156 = arith.constant dense<0.000000e+00> : vector<2048x256xf32>
    %dot_general3A_157 = tpu.matmul %convert_element_type3A_152, %get3A_155, %dot_general3A_156 {dimension_numbers = #tpu.dot_dimension_numbers<[1], [0], [0], [1], [0, 0, 1, 1], [], []>, transpose_lhs_hint = false} : vector<2048x256xbf16>, vector<256x256xbf16>, vector<2048x256xf32> -> vector<2048x256xf32>
    %mul3A_158 = vector.broadcast %reshape3A_53 : vector<2048x1xf32> to vector<2048x256xf32>
    %mul3A_159 = arith.mulf %mul3A_158, %dot_general3A_157 : vector<2048x256xf32>
    %convert_element_type3A_160 = arith.truncf %mul3A_159 : vector<2048x256xf32> to vector<2048x256xbf16>
    %slice3A_161 = vector.extract_strided_slice %convert_element_type3A_54 {offsets = [0, 0, 0], sizes = [1, 128, 128], strides = [1, 1, 1]} : vector<16x128x128xbf16> to vector<1x128x128xbf16>
    %squeeze3A_162 = vector.shape_cast %slice3A_161 : vector<1x128x128xbf16> to vector<128x128xbf16>
    %slice3A_163 = vector.extract_strided_slice %convert_element_type3A_160 {offsets = [0, 0], sizes = [128, 256], strides = [1, 1]} : vector<2048x256xbf16> to vector<128x256xbf16>
    %dot_general3A_164 = arith.constant dense<0.000000e+00> : vector<128x256xf32>
    %dot_general3A_165 = tpu.matmul %squeeze3A_162, %slice3A_163, %dot_general3A_164 {dimension_numbers = #tpu.dot_dimension_numbers<[1], [0], [0], [1], [0, 0, 1, 1], [], []>, transpose_lhs_hint = false} : vector<128x128xbf16>, vector<128x256xbf16>, vector<128x256xf32> -> vector<128x256xf32>
    %slice3A_166 = vector.extract_strided_slice %convert_element_type3A_54 {offsets = [1, 0, 0], sizes = [1, 128, 128], strides = [1, 1, 1]} : vector<16x128x128xbf16> to vector<1x128x128xbf16>
    %squeeze3A_167 = vector.shape_cast %slice3A_166 : vector<1x128x128xbf16> to vector<128x128xbf16>
    %slice3A_168 = vector.extract_strided_slice %convert_element_type3A_160 {offsets = [128, 0], sizes = [128, 256], strides = [1, 1]} : vector<2048x256xbf16> to vector<128x256xbf16>
    %dot_general3A_169 = arith.constant dense<0.000000e+00> : vector<128x256xf32>
    %dot_general3A_170 = tpu.matmul %squeeze3A_167, %slice3A_168, %dot_general3A_169 {dimension_numbers = #tpu.dot_dimension_numbers<[1], [0], [0], [1], [0, 0, 1, 1], [], []>, transpose_lhs_hint = false} : vector<128x128xbf16>, vector<128x256xbf16>, vector<128x256xf32> -> vector<128x256xf32>
    %slice3A_171 = vector.extract_strided_slice %convert_element_type3A_54 {offsets = [2, 0, 0], sizes = [1, 128, 128], strides = [1, 1, 1]} : vector<16x128x128xbf16> to vector<1x128x128xbf16>
    %squeeze3A_172 = vector.shape_cast %slice3A_171 : vector<1x128x128xbf16> to vector<128x128xbf16>
    %slice3A_173 = vector.extract_strided_slice %convert_element_type3A_160 {offsets = [256, 0], sizes = [128, 256], strides = [1, 1]} : vector<2048x256xbf16> to vector<128x256xbf16>
    %dot_general3A_174 = arith.constant dense<0.000000e+00> : vector<128x256xf32>
    %dot_general3A_175 = tpu.matmul %squeeze3A_172, %slice3A_173, %dot_general3A_174 {dimension_numbers = #tpu.dot_dimension_numbers<[1], [0], [0], [1], [0, 0, 1, 1], [], []>, transpose_lhs_hint = false} : vector<128x128xbf16>, vector<128x256xbf16>, vector<128x256xf32> -> vector<128x256xf32>
    %slice3A_176 = vector.extract_strided_slice %convert_element_type3A_54 {offsets = [3, 0, 0], sizes = [1, 128, 128], strides = [1, 1, 1]} : vector<16x128x128xbf16> to vector<1x128x128xbf16>
    %squeeze3A_177 = vector.shape_cast %slice3A_176 : vector<1x128x128xbf16> to vector<128x128xbf16>
    %slice3A_178 = vector.extract_strided_slice %convert_element_type3A_160 {offsets = [384, 0], sizes = [128, 256], strides = [1, 1]} : vector<2048x256xbf16> to vector<128x256xbf16>
    %dot_general3A_179 = arith.constant dense<0.000000e+00> : vector<128x256xf32>
    %dot_general3A_180 = tpu.matmul %squeeze3A_177, %slice3A_178, %dot_general3A_179 {dimension_numbers = #tpu.dot_dimension_numbers<[1], [0], [0], [1], [0, 0, 1, 1], [], []>, transpose_lhs_hint = false} : vector<128x128xbf16>, vector<128x256xbf16>, vector<128x256xf32> -> vector<128x256xf32>
    %slice3A_181 = vector.extract_strided_slice %convert_element_type3A_54 {offsets = [4, 0, 0], sizes = [1, 128, 128], strides = [1, 1, 1]} : vector<16x128x128xbf16> to vector<1x128x128xbf16>
    %squeeze3A_182 = vector.shape_cast %slice3A_181 : vector<1x128x128xbf16> to vector<128x128xbf16>
    %slice3A_183 = vector.extract_strided_slice %convert_element_type3A_160 {offsets = [512, 0], sizes = [128, 256], strides = [1, 1]} : vector<2048x256xbf16> to vector<128x256xbf16>
    %dot_general3A_184 = arith.constant dense<0.000000e+00> : vector<128x256xf32>
    %dot_general3A_185 = tpu.matmul %squeeze3A_182, %slice3A_183, %dot_general3A_184 {dimension_numbers = #tpu.dot_dimension_numbers<[1], [0], [0], [1], [0, 0, 1, 1], [], []>, transpose_lhs_hint = false} : vector<128x128xbf16>, vector<128x256xbf16>, vector<128x256xf32> -> vector<128x256xf32>
    %slice3A_186 = vector.extract_strided_slice %convert_element_type3A_54 {offsets = [5, 0, 0], sizes = [1, 128, 128], strides = [1, 1, 1]} : vector<16x128x128xbf16> to vector<1x128x128xbf16>
    %squeeze3A_187 = vector.shape_cast %slice3A_186 : vector<1x128x128xbf16> to vector<128x128xbf16>
    %slice3A_188 = vector.extract_strided_slice %convert_element_type3A_160 {offsets = [640, 0], sizes = [128, 256], strides = [1, 1]} : vector<2048x256xbf16> to vector<128x256xbf16>
    %dot_general3A_189 = arith.constant dense<0.000000e+00> : vector<128x256xf32>
    %dot_general3A_190 = tpu.matmul %squeeze3A_187, %slice3A_188, %dot_general3A_189 {dimension_numbers = #tpu.dot_dimension_numbers<[1], [0], [0], [1], [0, 0, 1, 1], [], []>, transpose_lhs_hint = false} : vector<128x128xbf16>, vector<128x256xbf16>, vector<128x256xf32> -> vector<128x256xf32>
    %slice3A_191 = vector.extract_strided_slice %convert_element_type3A_54 {offsets = [6, 0, 0], sizes = [1, 128, 128], strides = [1, 1, 1]} : vector<16x128x128xbf16> to vector<1x128x128xbf16>
    %squeeze3A_192 = vector.shape_cast %slice3A_191 : vector<1x128x128xbf16> to vector<128x128xbf16>
    %slice3A_193 = vector.extract_strided_slice %convert_element_type3A_160 {offsets = [768, 0], sizes = [128, 256], strides = [1, 1]} : vector<2048x256xbf16> to vector<128x256xbf16>
    %dot_general3A_194 = arith.constant dense<0.000000e+00> : vector<128x256xf32>
    %dot_general3A_195 = tpu.matmul %squeeze3A_192, %slice3A_193, %dot_general3A_194 {dimension_numbers = #tpu.dot_dimension_numbers<[1], [0], [0], [1], [0, 0, 1, 1], [], []>, transpose_lhs_hint = false} : vector<128x128xbf16>, vector<128x256xbf16>, vector<128x256xf32> -> vector<128x256xf32>
    %slice3A_196 = vector.extract_strided_slice %convert_element_type3A_54 {offsets = [7, 0, 0], sizes = [1, 128, 128], strides = [1, 1, 1]} : vector<16x128x128xbf16> to vector<1x128x128xbf16>
    %squeeze3A_197 = vector.shape_cast %slice3A_196 : vector<1x128x128xbf16> to vector<128x128xbf16>
    %slice3A_198 = vector.extract_strided_slice %convert_element_type3A_160 {offsets = [896, 0], sizes = [128, 256], strides = [1, 1]} : vector<2048x256xbf16> to vector<128x256xbf16>
    %dot_general3A_199 = arith.constant dense<0.000000e+00> : vector<128x256xf32>
    %dot_general3A_200 = tpu.matmul %squeeze3A_197, %slice3A_198, %dot_general3A_199 {dimension_numbers = #tpu.dot_dimension_numbers<[1], [0], [0], [1], [0, 0, 1, 1], [], []>, transpose_lhs_hint = false} : vector<128x128xbf16>, vector<128x256xbf16>, vector<128x256xf32> -> vector<128x256xf32>
    %slice3A_201 = vector.extract_strided_slice %convert_element_type3A_54 {offsets = [8, 0, 0], sizes = [1, 128, 128], strides = [1, 1, 1]} : vector<16x128x128xbf16> to vector<1x128x128xbf16>
    %squeeze3A_202 = vector.shape_cast %slice3A_201 : vector<1x128x128xbf16> to vector<128x128xbf16>
    %slice3A_203 = vector.extract_strided_slice %convert_element_type3A_160 {offsets = [1024, 0], sizes = [128, 256], strides = [1, 1]} : vector<2048x256xbf16> to vector<128x256xbf16>
    %dot_general3A_204 = arith.constant dense<0.000000e+00> : vector<128x256xf32>
    %dot_general3A_205 = tpu.matmul %squeeze3A_202, %slice3A_203, %dot_general3A_204 {dimension_numbers = #tpu.dot_dimension_numbers<[1], [0], [0], [1], [0, 0, 1, 1], [], []>, transpose_lhs_hint = false} : vector<128x128xbf16>, vector<128x256xbf16>, vector<128x256xf32> -> vector<128x256xf32>
    %slice3A_206 = vector.extract_strided_slice %convert_element_type3A_54 {offsets = [9, 0, 0], sizes = [1, 128, 128], strides = [1, 1, 1]} : vector<16x128x128xbf16> to vector<1x128x128xbf16>
    %squeeze3A_207 = vector.shape_cast %slice3A_206 : vector<1x128x128xbf16> to vector<128x128xbf16>
    %slice3A_208 = vector.extract_strided_slice %convert_element_type3A_160 {offsets = [1152, 0], sizes = [128, 256], strides = [1, 1]} : vector<2048x256xbf16> to vector<128x256xbf16>
    %dot_general3A_209 = arith.constant dense<0.000000e+00> : vector<128x256xf32>
    %dot_general3A_210 = tpu.matmul %squeeze3A_207, %slice3A_208, %dot_general3A_209 {dimension_numbers = #tpu.dot_dimension_numbers<[1], [0], [0], [1], [0, 0, 1, 1], [], []>, transpose_lhs_hint = false} : vector<128x128xbf16>, vector<128x256xbf16>, vector<128x256xf32> -> vector<128x256xf32>
    %slice3A_211 = vector.extract_strided_slice %convert_element_type3A_54 {offsets = [10, 0, 0], sizes = [1, 128, 128], strides = [1, 1, 1]} : vector<16x128x128xbf16> to vector<1x128x128xbf16>
    %squeeze3A_212 = vector.shape_cast %slice3A_211 : vector<1x128x128xbf16> to vector<128x128xbf16>
    %slice3A_213 = vector.extract_strided_slice %convert_element_type3A_160 {offsets = [1280, 0], sizes = [128, 256], strides = [1, 1]} : vector<2048x256xbf16> to vector<128x256xbf16>
    %dot_general3A_214 = arith.constant dense<0.000000e+00> : vector<128x256xf32>
    %dot_general3A_215 = tpu.matmul %squeeze3A_212, %slice3A_213, %dot_general3A_214 {dimension_numbers = #tpu.dot_dimension_numbers<[1], [0], [0], [1], [0, 0, 1, 1], [], []>, transpose_lhs_hint = false} : vector<128x128xbf16>, vector<128x256xbf16>, vector<128x256xf32> -> vector<128x256xf32>
    %slice3A_216 = vector.extract_strided_slice %convert_element_type3A_54 {offsets = [11, 0, 0], sizes = [1, 128, 128], strides = [1, 1, 1]} : vector<16x128x128xbf16> to vector<1x128x128xbf16>
    %squeeze3A_217 = vector.shape_cast %slice3A_216 : vector<1x128x128xbf16> to vector<128x128xbf16>
    %slice3A_218 = vector.extract_strided_slice %convert_element_type3A_160 {offsets = [1408, 0], sizes = [128, 256], strides = [1, 1]} : vector<2048x256xbf16> to vector<128x256xbf16>
    %dot_general3A_219 = arith.constant dense<0.000000e+00> : vector<128x256xf32>
    %dot_general3A_220 = tpu.matmul %squeeze3A_217, %slice3A_218, %dot_general3A_219 {dimension_numbers = #tpu.dot_dimension_numbers<[1], [0], [0], [1], [0, 0, 1, 1], [], []>, transpose_lhs_hint = false} : vector<128x128xbf16>, vector<128x256xbf16>, vector<128x256xf32> -> vector<128x256xf32>
    %slice3A_221 = vector.extract_strided_slice %convert_element_type3A_54 {offsets = [12, 0, 0], sizes = [1, 128, 128], strides = [1, 1, 1]} : vector<16x128x128xbf16> to vector<1x128x128xbf16>
    %squeeze3A_222 = vector.shape_cast %slice3A_221 : vector<1x128x128xbf16> to vector<128x128xbf16>
    %slice3A_223 = vector.extract_strided_slice %convert_element_type3A_160 {offsets = [1536, 0], sizes = [128, 256], strides = [1, 1]} : vector<2048x256xbf16> to vector<128x256xbf16>
    %dot_general3A_224 = arith.constant dense<0.000000e+00> : vector<128x256xf32>
    %dot_general3A_225 = tpu.matmul %squeeze3A_222, %slice3A_223, %dot_general3A_224 {dimension_numbers = #tpu.dot_dimension_numbers<[1], [0], [0], [1], [0, 0, 1, 1], [], []>, transpose_lhs_hint = false} : vector<128x128xbf16>, vector<128x256xbf16>, vector<128x256xf32> -> vector<128x256xf32>
    %slice3A_226 = vector.extract_strided_slice %convert_element_type3A_54 {offsets = [13, 0, 0], sizes = [1, 128, 128], strides = [1, 1, 1]} : vector<16x128x128xbf16> to vector<1x128x128xbf16>
    %squeeze3A_227 = vector.shape_cast %slice3A_226 : vector<1x128x128xbf16> to vector<128x128xbf16>
    %slice3A_228 = vector.extract_strided_slice %convert_element_type3A_160 {offsets = [1664, 0], sizes = [128, 256], strides = [1, 1]} : vector<2048x256xbf16> to vector<128x256xbf16>
    %dot_general3A_229 = arith.constant dense<0.000000e+00> : vector<128x256xf32>
    %dot_general3A_230 = tpu.matmul %squeeze3A_227, %slice3A_228, %dot_general3A_229 {dimension_numbers = #tpu.dot_dimension_numbers<[1], [0], [0], [1], [0, 0, 1, 1], [], []>, transpose_lhs_hint = false} : vector<128x128xbf16>, vector<128x256xbf16>, vector<128x256xf32> -> vector<128x256xf32>
    %slice3A_231 = vector.extract_strided_slice %convert_element_type3A_54 {offsets = [14, 0, 0], sizes = [1, 128, 128], strides = [1, 1, 1]} : vector<16x128x128xbf16> to vector<1x128x128xbf16>
    %squeeze3A_232 = vector.shape_cast %slice3A_231 : vector<1x128x128xbf16> to vector<128x128xbf16>
    %slice3A_233 = vector.extract_strided_slice %convert_element_type3A_160 {offsets = [1792, 0], sizes = [128, 256], strides = [1, 1]} : vector<2048x256xbf16> to vector<128x256xbf16>
    %dot_general3A_234 = arith.constant dense<0.000000e+00> : vector<128x256xf32>
    %dot_general3A_235 = tpu.matmul %squeeze3A_232, %slice3A_233, %dot_general3A_234 {dimension_numbers = #tpu.dot_dimension_numbers<[1], [0], [0], [1], [0, 0, 1, 1], [], []>, transpose_lhs_hint = false} : vector<128x128xbf16>, vector<128x256xbf16>, vector<128x256xf32> -> vector<128x256xf32>
    %slice3A_236 = vector.extract_strided_slice %convert_element_type3A_54 {offsets = [15, 0, 0], sizes = [1, 128, 128], strides = [1, 1, 1]} : vector<16x128x128xbf16> to vector<1x128x128xbf16>
    %squeeze3A_237 = vector.shape_cast %slice3A_236 : vector<1x128x128xbf16> to vector<128x128xbf16>
    %slice3A_238 = vector.extract_strided_slice %convert_element_type3A_160 {offsets = [1920, 0], sizes = [128, 256], strides = [1, 1]} : vector<2048x256xbf16> to vector<128x256xbf16>
    %dot_general3A_239 = arith.constant dense<0.000000e+00> : vector<128x256xf32>
    %dot_general3A_240 = tpu.matmul %squeeze3A_237, %slice3A_238, %dot_general3A_239 {dimension_numbers = #tpu.dot_dimension_numbers<[1], [0], [0], [1], [0, 0, 1, 1], [], []>, transpose_lhs_hint = false} : vector<128x128xbf16>, vector<128x256xbf16>, vector<128x256xf32> -> vector<128x256xf32>
    %concatenate3A_241 = tpu.concatenate %dot_general3A_165, %dot_general3A_170, %dot_general3A_175, %dot_general3A_180, %dot_general3A_185, %dot_general3A_190, %dot_general3A_195, %dot_general3A_200, %dot_general3A_205, %dot_general3A_210, %dot_general3A_215, %dot_general3A_220, %dot_general3A_225, %dot_general3A_230, %dot_general3A_235, %dot_general3A_240 in 0 : vector<128x256xf32>, vector<128x256xf32>, vector<128x256xf32>, vector<128x256xf32>, vector<128x256xf32>, vector<128x256xf32>, vector<128x256xf32>, vector<128x256xf32>, vector<128x256xf32>, vector<128x256xf32>, vector<128x256xf32>, vector<128x256xf32>, vector<128x256xf32>, vector<128x256xf32>, vector<128x256xf32>, vector<128x256xf32> -> vector<2048x256xf32>
    %mul3A_242 = vector.broadcast %reshape3A_53 : vector<2048x1xf32> to vector<2048x256xf32>
    %mul3A_243 = arith.mulf %mul3A_242, %concatenate3A_241 : vector<2048x256xf32>
    %get3A_244 = arith.constant 0 : index
    %get3A_245 = arith.constant 0 : index
    %get3A_246 = vector.load %arg10[%get3A_244, %get3A_245] : memref<1x256xf32, #tpu.memory_space<vmem>>, vector<1x256xf32>
    %add3A_247 = vector.broadcast %get3A_246 : vector<1x256xf32> to vector<2048x256xf32>
    %add3A_248 = arith.addf %mul3A_243, %add3A_247 : vector<2048x256xf32>
    %max3A_249 = arith.constant 0.000000e+00 : f32
    %max3A_250 = vector.broadcast %max3A_249 : f32 to vector<2048x256xf32>
    %max3A_251 = arith.maximumf %add3A_248, %max3A_250 : vector<2048x256xf32>
    %reshape3A_252 = vector.shape_cast %max3A_251 : vector<2048x256xf32> to vector<16x128x256xf32>
    %reduce_sum3A_253 = arith.constant dense<0.000000e+00> : vector<16x256xf32>
    %reduce_sum3A_254 = vector.multi_reduction <add>, %reshape3A_252, %reduce_sum3A_253 [1] : vector<16x128x256xf32> to vector<16x256xf32>
    %div3A_255 = arith.constant 1.280000e+02 : f32
    %div3A_256 = vector.broadcast %div3A_255 : f32 to vector<16x256xf32>
    %div3A_257 = arith.divf %reduce_sum3A_254, %div3A_256 : vector<16x256xf32>
    %mul3A_258 = arith.constant 4 : i32
    %mul3A_259 = arith.muli %arg0, %mul3A_258 : i32
    %get3A_260 = arith.index_cast %mul3A_259 : i32 to index
    %get3A_261 = arith.constant 0 : index
    %get3A_262 = vector.load %arg11[%get3A_260, %get3A_261] : memref<16x4xf32, #tpu.memory_space<vmem>>, vector<4x4xf32>
    %reduce_sum3A_263 = arith.constant dense<0.000000e+00> : vector<4xf32>
    %reduce_sum3A_264 = vector.multi_reduction <add>, %get3A_262, %reduce_sum3A_263 [1] : vector<4x4xf32> to vector<4xf32>
    %broadcast_in_dim3A = vector.shape_cast %reduce_sum3A_264 : vector<4xf32> to vector<4x1xf32>
    %add3A_265 = arith.constant 9.99999993E-9 : f32
    %add3A_266 = vector.broadcast %add3A_265 : f32 to vector<4x1xf32>
    %add3A_267 = arith.addf %broadcast_in_dim3A, %add3A_266 : vector<4x1xf32>
    %div3A_268 = vector.broadcast %add3A_267 : vector<4x1xf32> to vector<4x4xf32>
    %div3A_269 = arith.divf %get3A_262, %div3A_268 : vector<4x4xf32>
    %broadcast_in_dim3A_270 = vector.shape_cast %div3A_269 : vector<4x4xf32> to vector<4x4x1xf32>
    %reshape3A_271 = vector.shape_cast %div3A_257 : vector<16x256xf32> to vector<4x4x256xf32>
    %mul3A_272 = vector.broadcast %broadcast_in_dim3A_270 : vector<4x4x1xf32> to vector<4x4x256xf32>
    %mul3A_273 = arith.mulf %mul3A_272, %reshape3A_271 : vector<4x4x256xf32>
    %reduce_sum3A_274 = arith.constant dense<0.000000e+00> : vector<4x256xf32>
    %reduce_sum3A_275 = vector.multi_reduction <add>, %mul3A_273, %reduce_sum3A_274 [1] : vector<4x4x256xf32> to vector<4x256xf32>
    %reshape3A_276 = vector.shape_cast %reduce_sum3A_275 : vector<4x256xf32> to vector<1x4x256xf32>
    %swap3A = arith.index_cast %arg0 : i32 to index
    %swap3A_277 = arith.constant 0 : index
    %swap3A_278 = arith.constant 0 : index
    %swap3A_279 = vector.load %arg23[%swap3A, %swap3A_277, %swap3A_278] : memref<4x4x256xf32, #tpu.memory_space<vmem>>, vector<1x4x256xf32>
    tpu.vector_store %arg23[%swap3A, %swap3A_277, %swap3A_278], %reshape3A_276 {strides = array<i32>} : memref<4x4x256xf32, #tpu.memory_space<vmem>>, vector<1x4x256xf32>,
    %eq3A_280 = arith.constant 3 : i32
    %eq3A_281 = arith.cmpi eq, %arg0, %eq3A_280 : i32
    %convert_element_type3A_282 = arith.extui %eq3A_281 : i1 to i32
    %cond3A = arith.constant 0 : i32
    %cond3A_283 = arith.cmpi ne, %convert_element_type3A_282, %cond3A : i32
    scf.if %cond3A_283 {
      %get3A_284 = arith.constant 0 : index
      %get3A_285 = arith.constant 0 : index
      %get3A_286 = vector.load %arg11[%get3A_284, %get3A_285] : memref<16x4xf32, #tpu.memory_space<vmem>>, vector<16x4xf32>
      %reduce_sum3A_287 = arith.constant dense<0.000000e+00> : vector<16xf32>
      %reduce_sum3A_288 = vector.multi_reduction <add>, %get3A_286, %reduce_sum3A_287 [1] : vector<16x4xf32> to vector<16xf32>
      %broadcast_in_dim3A_289 = vector.shape_cast %reduce_sum3A_288 : vector<16xf32> to vector<16x1xf32>
      %add3A_290 = arith.constant 9.99999993E-9 : f32
      %add3A_291 = vector.broadcast %add3A_290 : f32 to vector<16x1xf32>
      %add3A_292 = arith.addf %broadcast_in_dim3A_289, %add3A_291 : vector<16x1xf32>
      %div3A_293 = vector.broadcast %add3A_292 : vector<16x1xf32> to vector<16x4xf32>
      %div3A_294 = arith.divf %get3A_286, %div3A_293 : vector<16x4xf32>
      %get3A_295 = arith.constant 0 : index
      %get3A_296 = arith.constant 0 : index
      %get3A_297 = arith.constant 0 : index
      %get3A_298 = vector.load %arg12[%get3A_295, %get3A_296, %get3A_297] : memref<16x4x32xf32, #tpu.memory_space<vmem>>, vector<16x4x32xf32>
      %ne3A = arith.cmpf one, %get3A_298, %get3A_298 : vector<16x4x32xf32>
      %jit3A = arith.constant 0.000000e+00 : f32
      %broadcast_in_dim3A_299 = vector.broadcast %jit3A : f32 to vector<16x4x32xf32>
      %select_n3A = arith.select %ne3A, %broadcast_in_dim3A_299, %get3A_298 : vector<16x4x32xi1>, vector<16x4x32xf32>
      %jit3A_300 = arith.constant -1.000000e+03 : f32
      %jit3A_301 = arith.constant 1.000000e+03 : f32
      %max3A_302 = vector.broadcast %jit3A_300 : f32 to vector<16x4x32xf32>
      %max3A_303 = arith.maximumf %max3A_302, %select_n3A : vector<16x4x32xf32>
      %min3A = vector.broadcast %jit3A_301 : f32 to vector<16x4x32xf32>
      %min3A_304 = arith.minimumf %min3A, %max3A_303 : vector<16x4x32xf32>
      %broadcast_in_dim3A_305 = vector.shape_cast %div3A_294 : vector<16x4xf32> to vector<16x4x1xf32>
      %mul3A_306 = vector.broadcast %broadcast_in_dim3A_305 : vector<16x4x1xf32> to vector<16x4x32xf32>
      %mul3A_307 = arith.mulf %mul3A_306, %min3A_304 : vector<16x4x32xf32>
      %reduce_sum3A_308 = arith.constant dense<0.000000e+00> : vector<16x32xf32>
      %reduce_sum3A_309 = vector.multi_reduction <add>, %mul3A_307, %reduce_sum3A_308 [1] : vector<16x4x32xf32> to vector<16x32xf32>
      %get3A_310 = arith.constant 0 : index
      %get3A_311 = arith.constant 0 : index
      %get3A_312 = arith.constant 0 : index
      %get3A_313 = vector.load %arg23[%get3A_310, %get3A_311, %get3A_312] : memref<4x4x256xf32, #tpu.memory_space<vmem>>, vector<4x4x256xf32>
      %reshape3A_314 = vector.shape_cast %get3A_313 : vector<4x4x256xf32> to vector<16x256xf32>
      %reduce_sum3A_315 = arith.constant dense<0.000000e+00> : vector<16xf32>
      %reduce_sum3A_316 = vector.multi_reduction <add>, %reshape3A_314, %reduce_sum3A_315 [1] : vector<16x256xf32> to vector<16xf32>
      %broadcast_in_dim3A_317 = vector.shape_cast %reduce_sum3A_316 : vector<16xf32> to vector<16x1xf32>
      %reduce_sum3A_318 = arith.constant dense<0.000000e+00> : vector<16xf32>
      %reduce_sum3A_319 = vector.multi_reduction <add>, %reduce_sum3A_309, %reduce_sum3A_318 [1] : vector<16x32xf32> to vector<16xf32>
      %broadcast_in_dim3A_320 = vector.shape_cast %reduce_sum3A_319 : vector<16xf32> to vector<16x1xf32>
      %add3A_321 = arith.addf %broadcast_in_dim3A_317, %broadcast_in_dim3A_320 : vector<16x1xf32>
      %div3A_322 = arith.constant 2.880000e+02 : f32
      %div3A_323 = vector.broadcast %div3A_322 : f32 to vector<16x1xf32>
      %div3A_324 = arith.divf %add3A_321, %div3A_323 : vector<16x1xf32>
      %sub3A = vector.broadcast %div3A_324 : vector<16x1xf32> to vector<16x256xf32>
      %sub3A_325 = arith.subf %reshape3A_314, %sub3A : vector<16x256xf32>
      %sub3A_326 = vector.broadcast %div3A_324 : vector<16x1xf32> to vector<16x32xf32>
      %sub3A_327 = arith.subf %reduce_sum3A_309, %sub3A_326 : vector<16x32xf32>
      %mul3A_328 = arith.mulf %sub3A_325, %sub3A_325 : vector<16x256xf32>
      %reduce_sum3A_329 = arith.constant dense<0.000000e+00> : vector<16xf32>
      %reduce_sum3A_330 = vector.multi_reduction <add>, %mul3A_328, %reduce_sum3A_329 [1] : vector<16x256xf32> to vector<16xf32>
      %broadcast_in_dim3A_331 = vector.shape_cast %reduce_sum3A_330 : vector<16xf32> to vector<16x1xf32>
      %mul3A_332 = arith.mulf %sub3A_327, %sub3A_327 : vector<16x32xf32>
      %reduce_sum3A_333 = arith.constant dense<0.000000e+00> : vector<16xf32>
      %reduce_sum3A_334 = vector.multi_reduction <add>, %mul3A_332, %reduce_sum3A_333 [1] : vector<16x32xf32> to vector<16xf32>
      %broadcast_in_dim3A_335 = vector.shape_cast %reduce_sum3A_334 : vector<16xf32> to vector<16x1xf32>
      %add3A_336 = arith.addf %broadcast_in_dim3A_331, %broadcast_in_dim3A_335 : vector<16x1xf32>
      %div3A_337 = arith.constant 2.880000e+02 : f32
      %div3A_338 = vector.broadcast %div3A_337 : f32 to vector<16x1xf32>
      %div3A_339 = arith.divf %add3A_336, %div3A_338 : vector<16x1xf32>
      %add3A_340 = arith.constant 9.99999974E-6 : f32
      %add3A_341 = vector.broadcast %add3A_340 : f32 to vector<16x1xf32>
      %add3A_342 = arith.addf %div3A_339, %add3A_341 : vector<16x1xf32>
      %sqrt3A_343 = math.sqrt %add3A_342 : vector<16x1xf32>
      %div3A_344 = arith.constant 1.000000e+00 : f32
      %div3A_345 = vector.broadcast %div3A_344 : f32 to vector<16x1xf32>
      %div3A_346 = arith.divf %div3A_345, %sqrt3A_343 : vector<16x1xf32>
      %mul3A_347 = vector.broadcast %div3A_346 : vector<16x1xf32> to vector<16x256xf32>
      %mul3A_348 = arith.mulf %sub3A_325, %mul3A_347 : vector<16x256xf32>
      %get3A_349 = arith.constant 0 : index
      %get3A_350 = arith.constant 0 : index
      %get3A_351 = vector.load %arg13[%get3A_349, %get3A_350] : memref<1x256xf32, #tpu.memory_space<vmem>>, vector<1x256xf32>
      %mul3A_352 = vector.broadcast %get3A_351 : vector<1x256xf32> to vector<16x256xf32>
      %mul3A_353 = arith.mulf %mul3A_348, %mul3A_352 : vector<16x256xf32>
      %get3A_354 = arith.constant 0 : index
      %get3A_355 = arith.constant 0 : index
      %get3A_356 = vector.load %arg15[%get3A_354, %get3A_355] : memref<1x256xf32, #tpu.memory_space<vmem>>, vector<1x256xf32>
      %add3A_357 = vector.broadcast %get3A_356 : vector<1x256xf32> to vector<16x256xf32>
      %add3A_358 = arith.addf %mul3A_353, %add3A_357 : vector<16x256xf32>
      %mul3A_359 = vector.broadcast %div3A_346 : vector<16x1xf32> to vector<16x32xf32>
      %mul3A_360 = arith.mulf %sub3A_327, %mul3A_359 : vector<16x32xf32>
      %get3A_361 = arith.constant 0 : index
      %get3A_362 = arith.constant 0 : index
      %get3A_363 = vector.load %arg14[%get3A_361, %get3A_362] : memref<1x32xf32, #tpu.memory_space<vmem>>, vector<1x32xf32>
      %mul3A_364 = vector.broadcast %get3A_363 : vector<1x32xf32> to vector<16x32xf32>
      %mul3A_365 = arith.mulf %mul3A_360, %mul3A_364 : vector<16x32xf32>
      %get3A_366 = arith.constant 0 : index
      %get3A_367 = arith.constant 0 : index
      %get3A_368 = vector.load %arg16[%get3A_366, %get3A_367] : memref<1x32xf32, #tpu.memory_space<vmem>>, vector<1x32xf32>
      %add3A_369 = vector.broadcast %get3A_368 : vector<1x32xf32> to vector<16x32xf32>
      %add3A_370 = arith.addf %mul3A_365, %add3A_369 : vector<16x32xf32>
      %get3A_371 = arith.constant 0 : index
      %get3A_372 = arith.constant 0 : index
      %get3A_373 = vector.load %arg17[%get3A_371, %get3A_372] : memref<256x256xf32, #tpu.memory_space<vmem>>, vector<256x256xf32>
      %dot_general3A_374 = arith.constant dense<0.000000e+00> : vector<16x256xf32>
      %dot_general3A_375 = tpu.matmul %add3A_358, %get3A_373, %dot_general3A_374 {dimension_numbers = #tpu.dot_dimension_numbers<[1], [0], [0], [1], [0, 0, 1, 1], [], []>, transpose_lhs_hint = false} : vector<16x256xf32>, vector<256x256xf32>, vector<16x256xf32> -> vector<16x256xf32>
      %get3A_376 = arith.constant 0 : index
      %get3A_377 = arith.constant 0 : index
      %get3A_378 = vector.load %arg18[%get3A_376, %get3A_377] : memref<32x256xf32, #tpu.memory_space<vmem>>, vector<32x256xf32>
      %dot_general3A_379 = arith.constant dense<0.000000e+00> : vector<16x256xf32>
      %dot_general3A_380 = tpu.matmul %add3A_370, %get3A_378, %dot_general3A_379 {dimension_numbers = #tpu.dot_dimension_numbers<[1], [0], [0], [1], [0, 0, 1, 1], [], []>, transpose_lhs_hint = false} : vector<16x32xf32>, vector<32x256xf32>, vector<16x256xf32> -> vector<16x256xf32>
      %add3A_381 = arith.addf %dot_general3A_375, %dot_general3A_380 : vector<16x256xf32>
      %get3A_382 = arith.constant 0 : index
      %get3A_383 = arith.constant 0 : index
      %get3A_384 = vector.load %arg19[%get3A_382, %get3A_383] : memref<1x256xf32, #tpu.memory_space<vmem>>, vector<1x256xf32>
      %add3A_385 = vector.broadcast %get3A_384 : vector<1x256xf32> to vector<16x256xf32>
      %add3A_386 = arith.addf %add3A_381, %add3A_385 : vector<16x256xf32>
      %max3A_387 = arith.constant 0.000000e+00 : f32
      %max3A_388 = vector.broadcast %max3A_387 : f32 to vector<16x256xf32>
      %max3A_389 = arith.maximumf %add3A_386, %max3A_388 : vector<16x256xf32>
      %get3A_390 = arith.constant 0 : index
      %get3A_391 = arith.constant 0 : index
      %get3A_392 = vector.load %arg20[%get3A_390, %get3A_391] : memref<256x1xf32, #tpu.memory_space<vmem>>, vector<256x1xf32>
      %dot_general3A_393 = arith.constant dense<0.000000e+00> : vector<16x1xf32>
      %dot_general3A_394 = tpu.matmul %max3A_389, %get3A_392, %dot_general3A_393 {dimension_numbers = #tpu.dot_dimension_numbers<[1], [0], [0], [1], [0, 0, 1, 1], [], []>, transpose_lhs_hint = false} : vector<16x256xf32>, vector<256x1xf32>, vector<16x1xf32> -> vector<16x1xf32>
      %get3A_395 = arith.constant 0 : index
      %get3A_396 = arith.constant 0 : index
      %get3A_397 = vector.load %arg21[%get3A_395, %get3A_396] : memref<1x1xf32, #tpu.memory_space<vmem>>, vector<1x1xf32>
      %add3A_398 = vector.broadcast %get3A_397 : vector<1x1xf32> to vector<16x1xf32>
      %add3A_399 = arith.addf %dot_general3A_394, %add3A_398 : vector<16x1xf32>
      %ne3A_400 = arith.cmpf one, %add3A_399, %add3A_399 : vector<16x1xf32>
      %jit3A_401 = arith.constant -3.40282347E+38 : f32
      %jit3A_402 = arith.constant 3.40282347E+38 : f32
      %max3A_403 = vector.broadcast %jit3A_401 : f32 to vector<16x1xf32>
      %max3A_404 = arith.maximumf %max3A_403, %add3A_399 : vector<16x1xf32>
      %min3A_405 = vector.broadcast %jit3A_402 : f32 to vector<16x1xf32>
      %min3A_406 = arith.minimumf %min3A_405, %max3A_404 : vector<16x1xf32>
      %jit3A_407 = arith.constant 0.000000e+00 : f32
      %broadcast_in_dim3A_408 = vector.broadcast %jit3A_407 : f32 to vector<16x1xf32>
      %select_n3A_409 = arith.select %ne3A_400, %broadcast_in_dim3A_408, %min3A_406 : vector<16x1xi1>, vector<16x1xf32>
      %swap3A_410 = arith.constant 0 : index
      %swap3A_411 = arith.constant 0 : index
      %swap3A_412 = vector.load %arg22[%swap3A_410, %swap3A_411] : memref<16x1xf32, #tpu.memory_space<vmem>>, vector<16x1xf32>
      tpu.vector_store %arg22[%swap3A_410, %swap3A_411], %select_n3A_409 {strides = array<i32>} : memref<16x1xf32, #tpu.memory_space<vmem>>, vector<16x1xf32>,
    } else {
    }
    return
  }
  func.func @transform_0(%arg0: i32) -> (i32, i32, i32) {
    %c0_i32 = arith.constant 0 : i32
    %c0_i32_0 = arith.constant 0 : i32
    %c0_i32_1 = arith.constant 0 : i32
    return %arg0, %c0_i32, %c0_i32_0 : i32, i32, i32
  }
  func.func @transform_1(%arg0: i32) -> (i32, i32, i32, i32) {
    %c0_i32 = arith.constant 0 : i32
    %c0_i32_0 = arith.constant 0 : i32
    %c0_i32_1 = arith.constant 0 : i32
    %c0_i32_2 = arith.constant 0 : i32
    return %c0_i32, %arg0, %c0_i32_0, %c0_i32_1 : i32, i32, i32, i32
  }
  func.func @transform_2(%arg0: i32) -> (i32, i32, i32, i32) {
    %c1_i32 = arith.constant 1 : i32
    %c0_i32 = arith.constant 0 : i32
    %c0_i32_0 = arith.constant 0 : i32
    %c0_i32_1 = arith.constant 0 : i32
    return %c1_i32, %arg0, %c0_i32, %c0_i32_0 : i32, i32, i32, i32
  }
  func.func @transform_3(%arg0: i32) -> (i32, i32) {
    %c0_i32 = arith.constant 0 : i32
    %c0_i32_0 = arith.constant 0 : i32
    %c0_i32_1 = arith.constant 0 : i32
    return %c0_i32, %c0_i32_0 : i32, i32
  }
  func.func @transform_4(%arg0: i32) -> (i32, i32) {
    %c0_i32 = arith.constant 0 : i32
    %c0_i32_0 = arith.constant 0 : i32
    %c0_i32_1 = arith.constant 0 : i32
    return %c0_i32, %c0_i32_0 : i32, i32
  }
  func.func @transform_5(%arg0: i32) -> (i32, i32) {
    %c0_i32 = arith.constant 0 : i32
    %c0_i32_0 = arith.constant 0 : i32
    %c0_i32_1 = arith.constant 0 : i32
    return %c0_i32, %c0_i32_0 : i32, i32
  }
  func.func @transform_6(%arg0: i32) -> (i32, i32) {
    %c0_i32 = arith.constant 0 : i32
    %c0_i32_0 = arith.constant 0 : i32
    %c0_i32_1 = arith.constant 0 : i32
    return %c0_i32, %c0_i32_0 : i32, i32
  }
  func.func @transform_7(%arg0: i32) -> (i32, i32) {
    %c0_i32 = arith.constant 0 : i32
    %c0_i32_0 = arith.constant 0 : i32
    %c0_i32_1 = arith.constant 0 : i32
    return %c0_i32, %c0_i32_0 : i32, i32
  }
  func.func @transform_8(%arg0: i32) -> (i32, i32) {
    %c0_i32 = arith.constant 0 : i32
    %c0_i32_0 = arith.constant 0 : i32
    %c0_i32_1 = arith.constant 0 : i32
    return %c0_i32, %c0_i32_0 : i32, i32
  }
  func.func @transform_9(%arg0: i32) -> (i32, i32) {
    %c0_i32 = arith.constant 0 : i32
    %c0_i32_0 = arith.constant 0 : i32
    %c0_i32_1 = arith.constant 0 : i32
    return %c0_i32, %c0_i32_0 : i32, i32
  }
  func.func @transform_10(%arg0: i32) -> (i32, i32) {
    %c0_i32 = arith.constant 0 : i32
    %c0_i32_0 = arith.constant 0 : i32
    %c0_i32_1 = arith.constant 0 : i32
    return %c0_i32, %c0_i32_0 : i32, i32
  }
  func.func @transform_11(%arg0: i32) -> (i32, i32, i32) {
    %c0_i32 = arith.constant 0 : i32
    %c0_i32_0 = arith.constant 0 : i32
    %c0_i32_1 = arith.constant 0 : i32
    %c0_i32_2 = arith.constant 0 : i32
    return %c0_i32, %c0_i32_0, %c0_i32_1 : i32, i32, i32
  }
  func.func @transform_12(%arg0: i32) -> (i32, i32) {
    %c0_i32 = arith.constant 0 : i32
    %c0_i32_0 = arith.constant 0 : i32
    %c0_i32_1 = arith.constant 0 : i32
    return %c0_i32, %c0_i32_0 : i32, i32
  }
  func.func @transform_13(%arg0: i32) -> (i32, i32) {
    %c0_i32 = arith.constant 0 : i32
    %c0_i32_0 = arith.constant 0 : i32
    %c0_i32_1 = arith.constant 0 : i32
    return %c0_i32, %c0_i32_0 : i32, i32
  }
  func.func @transform_14(%arg0: i32) -> (i32, i32) {
    %c0_i32 = arith.constant 0 : i32
    %c0_i32_0 = arith.constant 0 : i32
    %c0_i32_1 = arith.constant 0 : i32
    return %c0_i32, %c0_i32_0 : i32, i32
  }
  func.func @transform_15(%arg0: i32) -> (i32, i32) {
    %c0_i32 = arith.constant 0 : i32
    %c0_i32_0 = arith.constant 0 : i32
    %c0_i32_1 = arith.constant 0 : i32
    return %c0_i32, %c0_i32_0 : i32, i32
  }
  func.func @transform_16(%arg0: i32) -> (i32, i32) {
    %c0_i32 = arith.constant 0 : i32
    %c0_i32_0 = arith.constant 0 : i32
    %c0_i32_1 = arith.constant 0 : i32
    return %c0_i32, %c0_i32_0 : i32, i32
  }
  func.func @transform_17(%arg0: i32) -> (i32, i32) {
    %c0_i32 = arith.constant 0 : i32
    %c0_i32_0 = arith.constant 0 : i32
    %c0_i32_1 = arith.constant 0 : i32
    return %c0_i32, %c0_i32_0 : i32, i32
  }
  func.func @transform_18(%arg0: i32) -> (i32, i32) {
    %c0_i32 = arith.constant 0 : i32
    %c0_i32_0 = arith.constant 0 : i32
    %c0_i32_1 = arith.constant 0 : i32
    return %c0_i32, %c0_i32_0 : i32, i32
  }
  func.func @transform_19(%arg0: i32) -> (i32, i32) {
    %c0_i32 = arith.constant 0 : i32
    %c0_i32_0 = arith.constant 0 : i32
    %c0_i32_1 = arith.constant 0 : i32
    return %c0_i32, %c0_i32_0 : i32, i32
  }
  func.func @transform_20(%arg0: i32) -> (i32, i32) {
    %c0_i32 = arith.constant 0 : i32
    %c0_i32_0 = arith.constant 0 : i32
    %c0_i32_1 = arith.constant 0 : i32
    return %c0_i32, %c0_i32_0 : i32, i32
  }
  func.func @transform_21(%arg0: i32) -> (i32, i32) {
    %c0_i32 = arith.constant 0 : i32
    %c0_i32_0 = arith.constant 0 : i32
    %c0_i32_1 = arith.constant 0 : i32
    return %c0_i32, %c0_i32_0 : i32, i32
  }
}

</mosaic_0001>

<sc_bundles>
// kernel: kernel.4.cloned.1.call-start
scs
__scs_entry_jumppad:
0x0: {  	(pc) =	sbr.rel $0x88, $3  }
0x1: {  	(tag) =	ssettag $0x0;
	lr =	simm.s32 $0x1  }
0x2: {  	[smem:$0x3F8E] =	sst lr;
	_ =	strace $0xD0000000  }
0x3: {  	_ = 	snop  }
0x4: {  	_ = 	snop  }
0x5: {  	_ = 	snop  }
0x6: {  	_ = 	snop  }
0x7: {  	_ = 	snop  }
__scs_overlays_trampoline_lowered:
0x8: {  	[smem:$0x3F9D] =	sst s0  }
0x9: {  	[smem:$0x3F9E] =	sst s1  }
0xa: {  	[smem:$0x3F9F] =	sst s2  }
0xb: {  	[smem:$0x3FA0] =	sst s3  }
0xc: {  	[smem:$0x3FA1] =	sst s4  }
0xd: {  	[smem:$0x3FA2] =	sst s5  }
0xe: {  	[smem:$0x3FA3] =	sst s6  }
0xf: {  	[smem:$0x3FA4] =	sst s7  }
0x10: {  	[smem:$0x3FA5] =	sst s8  }
0x11: {  	[smem:$0x3FA6] =	sst s9;
	s0 =	simm.s32 @!p0 $0x0  }
0x12: {  	s1 =	sld [smem:$0x3F8C];
	s0 =	simm.s32 @p0 $0x1  }
0x13: {  	[smem:$0x3FA7] =	sst s0;
	s0 =	simm.s32 @!p1 $0x0  }
0x14: {  	s2 =	sld [smem:$0x3F8B];
	s0 =	simm.s32 @p1 $0x1  }
0x15: {  	[smem:$0x3FA8] =	sst s0;
	s0 =	simm.s32 @!p2 $0x0  }
0x16: {  	s3 =	sld [smem:$0x3FDB];
	s0 =	simm.s32 @p2 $0x1  }
0x17: {  	s4 =	simm.s32 $0x1BF5;
	[smem:$0x3FAA] =	sst s0  }
0x18: {  	s0 =	sld [smem:$0x3F8D];
	_ =	swait.ge [sflag:s4], $0x0  }
0x19: {  	s7 =	sld [smem:$0x3F8E]  }
0x1a: {  	s8 =	sadd.s32 $0xFFFFE003, lr  }
0x1b: {  	s9 =	sadd.s32 $0xFFFFFEF7, lr;
	s5 =	simm.s32 $0xFFFFFFFF;
	p2 =	slt.u32 s8, $0xFFFFF086  }
0x1c: {  	p1 =	slt.u32 s9, $0xF7A;
	s5 =	simm.s32 @!p2 $0x0  }
0x1d: {  	s5 =	simm.s32 @p1 $0x1;
	p0 =	seq.s32 s7, s2  }
0x1e: {  	s7 =	smul.u32 @!p0 $0xF7A, s2;
	p2 =	seq.s32 @!p0 s5, $0x0  }
0x1f: {  	s9 =	smul.u32 $0xF7A, s1;
	s8 =	simm.s32 @!p0 $0x1BF5;
	p2 =	por !p2, p0  }
0x20: {  	[sflag:s8] =	ssyncset.s32 @!p0 $0xFFFFF086;
	s6 =	sadd.s32 @!p0 s3, s7;
	s7 =	simm.s32 @!p0 $0x108  }
0x21: {  	s3 =	sadd.s32 s3, s9;
	s6 =	sadd.s32 @!p0 $0x88, s6;
	s7 =	simm.s32 @p2 $0x1082  }
0x22: {  	[simem:s7], [sflag:s8] =	dma.local @!p0 [hbm:s6], $0xF7A  }
0x23: {  	s9 =	sor.u32 $0xD0000000, s2;
	s6 =	simm.s32 $0x108;
	_ =	swait.ge @!p0 [sflag:s8], $0x0  }
0x24: {  	s3 =	sadd.s32 $0x88, s3;
	s6 =	simm.s32 @!p1 $0x1082;
	[sflag:s4] =	ssyncset.s32 $0xFFFFF086  }
0x25: {  	[simem:s6], [sflag:s4] =	dma.local [hbm:s3], $0xF7A  }
0x26: {  	[smem:$0x3F8E] =	sst s1;
	(tag) =	ssettag s2;
	_ =	strace s9  }
0x27: {  	s1 =	sld [smem:$0x3F9E]  }
0x28: {  	s2 =	sld [smem:$0x3F9F]  }
0x29: {  	s4 =	sld [smem:$0x3FA1]  }
0x2a: {  	p0 =	seq.s32 s5, $0x0;
	s5 =	sld [smem:$0x3FA2]  }
0x2b: {  	s6 =	sld [smem:$0x3FA3]  }
0x2c: {  	s7 =	sld [smem:$0x3FA4]  }
0x2d: {  	s3 =	simm.s32 $0x108;
	s8 =	sld [smem:$0x3FA5]  }
0x2e: {  	s3 =	simm.s32 @!p0 $0x1082;
	s9 =	sld [smem:$0x3FA6]  }
0x2f: {  	lr =	sadd.s32 s0, s3;
	s0 =	sld [smem:$0x3F9D]  }
0x30: {  	s3 =	sld [smem:$0x3FA0]  }
0x31: {  	[smem:$0x3FA9] =	sst s10  }
0x32: {  	s10 =	sld [smem:$0x3FA7];
	_ =	sdelay $0x3  }
0x33: {  	p0 =	seq.s32 s10, $0x1;
	s10 =	sld [smem:$0x3FA9];
	_ =	sdelay $0x3  }
0x34: {  	[smem:$0x3FA9] =	sst s10  }
0x35: {  	s10 =	sld [smem:$0x3FA8];
	_ =	sdelay $0x3  }
0x36: {  	p1 =	seq.s32 s10, $0x1;
	s10 =	sld [smem:$0x3FA9];
	_ =	sdelay $0x3  }
0x37: {  	[smem:$0x3FA9] =	sst s10  }
0x38: {  	s10 =	sld [smem:$0x3FAA]  }
0x39: {  	_ = 	snop;
	(pc) =	sbr.ind lr, $3  }
0x3a: {  	_ = 	snop  }
0x3b: {  	_ = 	snop  }
0x3c: {  	p2 =	seq.s32 s10, $0x1;
	s10 =	sld [smem:$0x3FA9]  }
0x3d: {  	_ =	shalt  }
0x3e: {  	_ =	shalt  }
0x3f: {  	_ =	shalt  }
0x40: {  	_ =	shalt  }
0x41: {  	_ =	shalt  }
0x42: {  	_ =	shalt  }
0x43: {  	_ =	shalt  }
0x44: {  	_ =	shalt  }
0x45: {  	_ =	shalt  }
0x46: {  	_ =	shalt  }
0x47: {  	_ =	shalt  }
0x48: {  	_ =	shalt  }
0x49: {  	_ =	shalt  }
0x4a: {  	_ =	shalt  }
0x4b: {  	_ =	shalt  }
0x4c: {  	_ =	shalt  }
0x4d: {  	_ =	shalt  }
0x4e: {  	_ =	shalt  }
0x4f: {  	_ =	shalt  }
0x50: {  	_ =	shalt  }
0x51: {  	_ =	shalt  }
0x52: {  	_ =	shalt  }
0x53: {  	_ =	shalt  }
0x54: {  	_ =	shalt  }
0x55: {  	_ =	shalt  }
0x56: {  	_ =	shalt  }
0x57: {  	_ =	shalt  }
0x58: {  	_ =	shalt  }
0x59: {  	_ =	shalt  }
0x5a: {  	_ =	shalt  }
0x5b: {  	_ =	shalt  }
0x5c: {  	_ =	shalt  }
0x5d: {  	_ =	shalt  }
0x5e: {  	_ =	shalt  }
0x5f: {  	_ =	shalt  }
0x60: {  	_ =	shalt  }
0x61: {  	_ =	shalt  }
0x62: {  	_ =	shalt  }
0x63: {  	_ =	shalt  }
0x64: {  	_ =	shalt  }
0x65: {  	_ =	shalt  }
0x66: {  	_ =	shalt  }
0x67: {  	_ =	shalt  }
0x68: {  	_ =	shalt  }
0x69: {  	_ =	shalt  }
0x6a: {  	_ =	shalt  }
0x6b: {  	_ =	shalt  }
0x6c: {  	_ =	shalt  }
0x6d: {  	_ =	shalt  }
0x6e: {  	_ =	shalt  }
0x6f: {  	_ =	shalt  }
0x70: {  	_ =	shalt  }
0x71: {  	_ =	shalt  }
0x72: {  	_ =	shalt  }
0x73: {  	_ =	shalt  }
0x74: {  	_ =	shalt  }
0x75: {  	_ =	shalt  }
0x76: {  	_ =	shalt  }
0x77: {  	_ =	shalt  }
0x78: {  	_ =	shalt  }
0x79: {  	_ =	shalt  }
0x7a: {  	_ =	shalt  }
0x7b: {  	_ =	shalt  }
0x7c: {  	_ =	shalt  }
0x7d: {  	_ =	shalt  }
0x7e: {  	_ =	shalt  }
0x7f: {  	_ =	shalt  }
0x80: {  	_ =	shalt  }
0x81: {  	_ =	shalt  }
0x82: {  	_ =	shalt  }
0x83: {  	_ =	shalt  }
0x84: {  	_ =	shalt  }
0x85: {  	_ =	shalt  }
0x86: {  	_ =	shalt  }
0x87: {  	_ =	shalt  }
.Lfunc_end0:
.L_simem_size_0:
called_computation_lowered:
.L_overlay_start_0:
0x88: {  	s2 =	sld [smem:$0x3FD9]  }
0x89: {  	s3 =	sld [smem:$0x3FFE];
	_ =	sdelay $0x1  }
0x8a: {  	s1 =	srdreg.scid  }
0x8b: {  	s0 =	sand.u32 $0x1, s1  }
0x8c: {  	s17 =	sshll.u32 s0, $0xA;
	s2 =	sadd.s32 s3, s2  }
0x8d: {  	s2 =	sadd.s32 s2, s17  }
0x8e: {  	[smem:$0x3FB5] =	sst s2  }
0x8f: {  	_ = 	snop  }
0x90: {  	s2 =	sld [smem:$0x3FC9]  }
0x91: {  	s18 =	sld [smem:$0x3FC8];
	(tm) =	ssettm $0x1  }
0x92: {  	s4 =	sld [smem:$0x3FFB];
	_ =	sdelay $0x3  }
0x93: {  	_ =	strace s4  }
0x94: {  	s4 =	sld [smem:$0x3FFC];
	_ =	sdelay $0x3  }
0x95: {  	_ =	strace s4  }
0x96: {  	s4 =	sld [smem:$0x3FFD];
	_ =	sdelay $0x3  }
0x97: {  	_ =	strace s4  }
0x98: {  	_ =	strace $0x8FFFFFFF  }
0x99: {  	s19 =	sld [smem:$0x3FDB];
	_ =	sdelay $0x1  }
0x9a: {  	s5 =	simm.s32 $_scs_section_size  }
0x9b: {  	s6 =	simm.s32 $_size__tile_overlayer_lowered;
	s7 =	simm.s32 $_tile_overlayer_lowered  }
0x9c: {  	s22 =	simm.s32 $0x1BFF;
	s21 =	sshll.u32 s7, $0x1;
	s4 =	sadd.s32 s5, s19  }
0x9d: {  	s8 =	simm.s32 $0x0;
	s20 =	sshll.u32 s6, $0x1;
	s6 =	sadd.s32 s21, s4  }
0x9e: {  	[timem:s8], [sflag:s22] =	dma.local [hbm:s6], s20  }
0x9f: {  	_ =	swait.ge [sflag:s22], s20  }
0xa0: {  	s5 =	ssub.s32 $0x0, s20;
	[sflag:s22] =	ssyncset.done $0x0  }
0xa1: {  	[sflag:s22] =	ssyncadd.s32 s5;
	_ =	sdelay $0x1  }
0xa2: {  	s23 =	simm.s32 $0x1B8B  }
0xa3: {  	_ =	swait.ge [sflag:s23], $0x1  }
0xa4: {  	[sflag:s23] =	ssyncset.done $0x0  }
0xa5: {  	s25 =	simm.s32 $0x1B8E;
	s24 =	sld [smem:$0x3FFE];
	[sflag:s23] =	ssyncadd.s32 $0xFFFFFFFF  }
0xa6: {  	s26 =	simm.s32 $execute0_lowered;
	[smem:$0x3FD2] =	sst s25  }
0xa7: {  	s6 =	sshll.u32 s26, $0x1;
	_ =	strace $0x80000046;
	[dreg:$0x1] =	wrdreg $0xFFFFFFFF  }
0xa8: {  	s28 =	simm.s32 $_size_execute0_lowered;
	s4 =	sadd.s32 s4, s6;
	[dreg:$0x0] =	wrdreg $0x0  }
0xa9: {  	s6 =	sshll.u32 s28, $0x1;
	[dreg:$0x2] =	wrdreg s4  }
0xaa: {  	[dreg:$0x3] =	wrdreg s6  }
0xab: {  	[dreg:$0x4] =	wrdreg $0xC0  }
0xac: {  	_ =	task [dreg:s8], $0x5FFFF  }
0xad: {  	[dreg:$0x1] =	wrdreg $0xFFFFFFFF  }
0xae: {  	[dreg:$0x0] =	wrdreg $0x60  }
0xaf: {  	[dreg:$0x2] =	wrdreg s24  }
0xb0: {  	[dreg:$0x3] =	wrdreg s2  }
0xb1: {  	[dreg:$0x4] =	wrdreg s18  }
0xb2: {  	[dreg:$0x5] =	wrdreg $0x9  }
0xb3: {  	_ =	task.clear_ibuf [dreg:s8], $0x6FFFF;
	_ =	strace $0x90000046  }
0xb4: {  	s29 =	simm.s32 $0x9;
	_ =	strace $0x80000048  }
0xb5: {  	_ =	swait.ge [sflag:s29], $0x1  }
0xb6: {  	[sflag:s29] =	ssyncadd.s32 $0xFFFFFFFF  }
0xb7: {  	_ =	strace $0x90000048  }
0xb8: {  	_ =	sfence  }
0xb9: {  	s30 =	sld [smem:$0x0];
	_ =	sdelay $0x2  }
0xba: {  	s31 =	sshll.u32 s1, $0xD;
	s1 =	sshrl.u32 s1, $0x2  }
0xbb: {  	s3 =	sand.u32 $0x4000, s31;
	s1 =	sadd.s32 s1, s30  }
0xbc: {  	s0 =	sor.u32 s3, s0;
	s1 =	sshll.u32 s1, $0x11  }
0xbd: {  	s0 =	sor.u32 s1, s0  }
0xbe: {  	s0 =	sadd.s32 $0x8F2B, s0  }
0xbf: {  	[sflag:s0] =	ssyncadd.remote.s32 $0x1  }
0xc0: {  	_ =	sfence.sel $0xFFFF  }
0xc1: {  	[dreg:$0x0] =	wrdreg $0xFFFFFFFF;
	(pc) =	sbr.abs _section_cstart, $3  }
0xc2: {  	[dreg:$0x1] =	wrdreg $0xFFFFFFFF  }
0xc3: {  	_ =	task.clear_ibuf [dreg:s8], $0x2FFFF;
	_ =	strace $0x9FFFFFFF  }
0xc4: {  	(tm) =	ssettm $0x7FFFFFFF  }
0xc5: {  	_ =	shalt  }
tec
execute0_lowered:
.L_overlay_start_1:
0x0: {  	(tag) =	ssettag $0x1  }
0x1: {  	s1 =	srdreg.scid  }
0x2: {  	s16 =	rddreg [dreg:$0x0];
	s0 =	stileid.u32;
	s17 =	sand.u32 $0x1, s1  }
0x3: {  	s3 =	rddreg [dreg:$0x1];
	s5 =	sshll.u32 s0, $0x9;
	s6 =	sshll.u32 s17, $0x8  }
0x4: {  	s4 =	rddreg [dreg:$0x2];
	s2 =	simm.s32 $0x0;
	s18 =	sor.u32 s6, s5  }
0x5: {  	[smem:$0x7FF] =	sst s2;
	s5 =	sshrl.u32 s18, $0x3  }
0x6: {  	s1 =	rddreg [dreg:$0x3];
	_ =	strace $0x80000047;
	s3 =	sadd.s32 s3, s5  }
0x7: {  	[tilespmem:s2], [sflag:$0x1] =	stream.linear.gather [hbm4b:s3+s2], $0x100, $0x38;
	[tilespmem:$0x10200] =	vst v63  }
0x8: {  	s6 =	simm.s32 $0x1;
	s4 =	sadd.s32 s4, s5;
	s5 =	simm.s32 $0x100  }
0x9: {  	[tilespmem:s5], [sflag:$0x1] =	stream.linear.gather [hbm4b:s4+s2], $0x100, $0x38;
	[tilespmem:$0x10200] =	vst v63  }
0xa: {  	_ =	swait.ge [sflag:s6], $0x100  }
0xb: {  	[sflag:s6] =	ssyncset.done $0x0  }
0xc: {  	[sflag:s6] =	ssyncadd.s32 $0xFFFFFF00  }
0xd: {  	_ =	swait.ge [sflag:s6], $0x100  }
0xe: {  	s8 =	simm.s32 $0x80;
	[sflag:s6] =	ssyncset.done $0x0  }
0xf: {  	s9 =	simm.s32 $0x200;
	s7 =	sadd.s32 $0xA800, s16;
	[sflag:s6] =	ssyncadd.s32 $0xFFFFFF00  }
0x10: {  	[tilespmem:s9], [sflag:$0x2] =	stream.indirect.gather [hbm4b:s7+s8], $0x80, s2, s8, $0xb8;
	[tilespmem:$0x10200] =	vst v63  }
0x11: {  	s10 =	simm.s32 $0x4200  }
0x12: {  	[tilespmem:s10], [sflag:$0x2] =	stream.indirect.gather [hbm4b:s7+s8], $0x80, s8, s8, $0xb8;
	[tilespmem:$0x10200] =	vst v63  }
0x13: {  	s12 =	simm.s32 $0x8200;
	s11 =	sadd.s32 $0x2800, s16  }
0x14: {  	[tilespmem:s12], [sflag:$0x2] =	stream.indirect.gather [hbm4b:s11+s8], $0x80, s5, s8, $0xb8;
	[tilespmem:$0x10200] =	vst v63  }
0x15: {  	s13 =	simm.s32 $0x180;
	s14 =	simm.s32 $0xC200;
	s15 =	simm.s32 $0x2  }
0x16: {  	[tilespmem:s14], [sflag:$0x2] =	stream.indirect.gather [hbm4b:s11+s8], $0x80, s13, s8, $0xb8;
	[tilespmem:$0x10200] =	vst v63  }
0x17: {  	_ =	swait.ge [sflag:s15], $0x4000  }
0x18: {  	[sflag:s15] =	ssyncset.done $0x0  }
0x19: {  	[sflag:s15] =	ssyncadd.s32 $0xFFFFC000  }
0x1a: {  	_ =	swait.ge [sflag:s15], $0x4000  }
0x1b: {  	[sflag:s15] =	ssyncset.done $0x0  }
0x1c: {  	s17 =	ssub.s32 $0x2, s17;
	[sflag:s15] =	ssyncadd.s32 $0xFFFFC000  }
0x1d: {  	s31 =	sshrl.u32 s17, $0x1;
	_ =	swait.ge [sflag:s15], $0x4000  }
0x1e: {  	s19 =	simm.s32 $0x100000;
	s17 =	ssub.s32 s17, s31;
	[sflag:s15] =	ssyncset.done $0x0  }
0x1f: {  	s18 =	sshll.u32 s18, $0x4;
	s20 =	smax.u32 s17, $0x1;
	[sflag:s15] =	ssyncadd.s32 $0xFFFFC000  }
0x20: {  	s16 =	sadd.s32 s18, s16;
	p0 =	sne.s32 s20, $0x1;
	_ =	swait.ge [sflag:s15], $0x4000  }
.Ltmp0:
0x21: {  	s17 =	simm.s32 $0x8000;
	[sflag:s15] =	ssyncset.done $0x0;
	(pc) =	sbr.rel @!p0 .LBB2_2-.Ltmp0, $4  }
0x22: {  	s18 =	simm.s32 $0x3;
	s16 =	sadd.s32 $0xB000, s16;
	[sflag:s15] =	ssyncadd.s32 $0xFFFFC000  }
0x23: {  	[hbm4b:s16+s17] =	stream.strided.scatter [tilespmem:s9], [sflag:$0x3], $0x10000, s19, s17, $0x38;
	[tilespmem:$0x10200] =	vst v63  }
0x24: {  	_ =	swait.ge [sflag:s18], $0x10000  }
0x25: {  	s20 =	sadd.s32 $0xFFFFFFFF, s20;
	[sflag:s18] =	ssyncset.done $0x0  }
.LBB2_1:
0x26: {  	p0 =	sne.s32 s20, $0x1;
	s20 =	sadd.s32 $0xFFFFFFFF, s20;
	[sflag:s18] =	ssyncadd.s32 $0xFFFF0000  }
0x27: {  	[tilespmem:s2], [sflag:$0x1] =	stream.linear.gather [hbm4b:s3+s2], $0x100, $0x38;
	[tilespmem:$0x10200] =	vst v63  }
0x28: {  	_ = 	snop  }
0x29: {  	[tilespmem:s5], [sflag:$0x1] =	stream.linear.gather [hbm4b:s4+s2], $0x100, $0x38;
	[tilespmem:$0x10200] =	vst v63  }
0x2a: {  	_ =	swait.ge [sflag:s6], $0x100  }
0x2b: {  	[sflag:s6] =	ssyncset.done $0x0  }
0x2c: {  	[sflag:s6] =	ssyncadd.s32 $0xFFFFFF00  }
0x2d: {  	_ =	swait.ge [sflag:s6], $0x100  }
0x2e: {  	[sflag:s6] =	ssyncset.done $0x0  }
0x2f: {  	[sflag:s6] =	ssyncadd.s32 $0xFFFFFF00  }
0x30: {  	[tilespmem:s9], [sflag:$0x2] =	stream.indirect.gather [hbm4b:s7+s8], $0x80, s2, s8, $0xb8;
	[tilespmem:$0x10200] =	vst v63  }
0x31: {  	_ = 	snop  }
0x32: {  	[tilespmem:s10], [sflag:$0x2] =	stream.indirect.gather [hbm4b:s7+s8], $0x80, s8, s8, $0xb8;
	[tilespmem:$0x10200] =	vst v63  }
0x33: {  	_ = 	snop  }
0x34: {  	[tilespmem:s12], [sflag:$0x2] =	stream.indirect.gather [hbm4b:s11+s8], $0x80, s5, s8, $0xb8;
	[tilespmem:$0x10200] =	vst v63  }
0x35: {  	_ = 	snop  }
0x36: {  	[tilespmem:s14], [sflag:$0x2] =	stream.indirect.gather [hbm4b:s11+s8], $0x80, s13, s8, $0xb8;
	[tilespmem:$0x10200] =	vst v63  }
0x37: {  	_ =	swait.ge [sflag:s15], $0x4000  }
0x38: {  	[sflag:s15] =	ssyncset.done $0x0  }
0x39: {  	[sflag:s15] =	ssyncadd.s32 $0xFFFFC000  }
0x3a: {  	_ =	swait.ge [sflag:s15], $0x4000  }
0x3b: {  	[sflag:s15] =	ssyncset.done $0x0  }
0x3c: {  	[sflag:s15] =	ssyncadd.s32 $0xFFFFC000  }
0x3d: {  	_ =	swait.ge [sflag:s15], $0x4000  }
0x3e: {  	[sflag:s15] =	ssyncset.done $0x0  }
0x3f: {  	[sflag:s15] =	ssyncadd.s32 $0xFFFFC000  }
0x40: {  	_ =	swait.ge [sflag:s15], $0x4000  }
.Ltmp1:
0x41: {  	[sflag:s15] =	ssyncset.done $0x0;
	(pc) =	sbr.rel @p0 .LBB2_1-.Ltmp1, $4  }
0x42: {  	[sflag:s15] =	ssyncadd.s32 $0xFFFFC000  }
0x43: {  	[hbm4b:s16+s17] =	stream.strided.scatter [tilespmem:s9], [sflag:$0x3], $0x10000, s19, s17, $0x38;
	[tilespmem:$0x10200] =	vst v63  }
0x44: {  	_ =	swait.ge [sflag:s18], $0x10000  }
0x45: {  	[sflag:s18] =	ssyncset.done $0x0  }
.LBB2_2:
0x46: {  	[sflag:s18] =	ssyncadd.s32 $0xFFFF0000  }
0x47: {  	_ =	sfence.sel $0x180000  }
0x48: {  	[bflag:$0x0] =	sbarrier.arrive $0xFFFF  }
0x49: {  	p0 =	sne.s32 s0, $0x0;
	_ =	strace $0x90000047  }
0x4a: {  	s0 =	sadd.s32 @!p0 $0x100000, s1;
	[bflag:$0x2] =	sbarrier.arrive $0xFFFF  }
0x4b: {  	[sflag:s0] =	ssyncadd.tile.s32 @!p0 $0x1;
	_ =	shalt  }
.Lfunc_end2:
_tile_overlayer_lowered:
.L_overlay_start_2:
0x4c: {  	(tag) =	ssettag $0x2  }
0x4d: {  	s0 =	rddreg [dreg:$0x0];
	s2 =	stileid.u32  }
0x4e: {  	s1 =	rddreg [dreg:$0x1];
	p0 =	sne.s32 s2, $0x0  }
0x4f: {  	s3 =	rddreg [dreg:$0x2];
	[bflag:$0x3] =	sbarrier.arrive $0xFFFF;
	s2 =	simm.s32 @!p0 $0x1C03  }
0x50: {  	[timem:s3], [sflag:s2] =	dma.local @!p0 [hbm:s0], s1  }
0x51: {  	s0 =	simm.s32 @!p0 $0x3  }
0x52: {  	_ =	swait.ge @!p0 [sflag:s0], s1  }
0x53: {  	s1 =	ssub.s32 @!p0 $0x0, s1;
	[sflag:s0] =	ssyncset.done @!p0 $0x0  }
0x54: {  	[sflag:s0] =	ssyncadd.s32 @!p0 s1  }
0x55: {  	[bflag:$0x3] =	sbarrier.arrive $0xFFFF  }
0x56: {  	_ =	shalt  }

</sc_bundles>
